<compile_context>
chip_gen: v7x
topology: tpu7x:2x2x1
jax: 0.10.2.dev20260603
libtpu: 0.0.44.dev20260713+nightly
codegen_flags: <defaults>
</compile_context>

<pallas_src>
import functools

import jax
import jax.numpy as jnp
from jax import lax
from jax.experimental import pallas as pl
from jax.experimental.pallas import tpu as pltpu
from jax.experimental.pallas import tpu_sc as plsc

NC = 2
NS = 16
L = 16
NW = NC * NS


def _pick_chunk(n_edges: int) -> int:
    for b in range(2048, 0, -128):
        if n_edges % b == 0:
            return b
    raise ValueError(f"edge count {n_edges} not divisible by a 128-multiple")


@functools.partial(jax.jit, static_argnames=("n_nodes", "n_edges"))
def _stress_sc(packed, fei, attr, *, n_nodes, n_edges):
    b = _pick_chunk(n_edges)
    nch = n_edges // b
    nv = b // L
    q, r = divmod(nch, NW)

    mesh = plsc.VectorSubcoreMesh(core_axis_name="c", subcore_axis_name="s")

    @functools.partial(
        pl.kernel,
        out_type=jax.ShapeDtypeStruct((NW, L), jnp.float32),
        mesh=mesh,
        compiler_params=pltpu.CompilerParams(needs_layout_passes=False),
        scratch_types=[
            pltpu.VMEM((n_nodes,), jnp.int32),
            pltpu.VMEM((2, b), jnp.int32),
            pltpu.VMEM((2, b), jnp.int32),
            pltpu.VMEM((b,), jnp.float32),
            pltpu.VMEM((b,), jnp.float32),
            pltpu.VMEM((L,), jnp.float32),
            pltpu.SemaphoreType.DMA,
            pltpu.SemaphoreType.DMA,
            pltpu.SemaphoreType.DMA,
        ],
    )
    def body(tab_hbm, fei_hbm, attr_hbm, out_hbm,
             tab_v, ija, ijb, da, db, acc_v, sem0, sem1, semt):
        bufs = ((ija, da, sem0), (ijb, db, sem1))
        cid = lax.axis_index("c")
        sid = lax.axis_index("s")
        wid = cid * NS + sid
        start = wid * q + jnp.minimum(wid, r)
        nloc = q + jnp.where(wid < r, 1, 0)
        last = start + nloc - 1

        tab_copy = pltpu.make_async_copy(tab_hbm, tab_v, semt)
        tab_copy.start()

        def fetch(c, slot):
            c = jnp.minimum(c, last)
            ij, dv, sem = bufs[slot]
            pltpu.async_copy(fei_hbm.at[:, pl.ds(c * b, b)], ij, sem)
            pltpu.async_copy(attr_hbm.at[pl.ds(c * b, b)], dv, sem)

        def drain(slot):
            ij, dv, sem = bufs[slot]
            pltpu.make_async_copy(fei_hbm.at[:, pl.ds(0, b)], ij, sem).wait()
            pltpu.make_async_copy(attr_hbm.at[pl.ds(0, b)], dv, sem).wait()

        magic = jnp.int32(0x5F376908)
        nr_a = jnp.float32(1.50265)
        nr_b = jnp.float32(0.5016667)

        def compute(slot, acc):
            ij, dref, _ = bufs[slot]

            def vec(i, acc):
                idx0 = ij[0, pl.ds(i * L, L)]
                idx1 = ij[1, pl.ds(i * L, L)]
                w0 = plsc.load_gather(tab_v, [idx0])
                w1 = plsc.load_gather(tab_v, [idx1])
                dv = dref[pl.ds(i * L, L)]
                dxy = (plsc.bitcast(w0, jnp.bfloat16)
                       - plsc.bitcast(w1, jnp.bfloat16))
                sq = dxy * dxy
                sx, sy = plsc.unpack(sq, format=plsc.PackFormat.INTERLEAVED)
                s = sx + sy
                y0 = plsc.bitcast(magic - (plsc.bitcast(s, jnp.int32) >> 1),
                                  jnp.float32)
                y1 = y0 * (nr_a - nr_b * (s * (y0 * y0)))
                eu = s * y1
                qv = (eu - dv) / dv
                return acc + qv * qv

            return lax.fori_loop(0, nv, vec, acc, unroll=4)

        total = q + (1 if r else 0)
        total += total % 2
        zeros = jnp.zeros((L,), jnp.float32)

        def masked(c, part):
            return jnp.where(c <= last, part, zeros)

        fetch(start, 0)

        def pair(p, acc):
            c0 = start + 2 * p
            fetch(c0 + 1, 1)
            drain(0)
            acc = acc + masked(c0, compute(0, zeros))

            @pl.when(2 * p + 2 < total)
            def _():
                fetch(c0 + 2, 0)

            drain(1)
            return acc + masked(c0 + 1, compute(1, zeros))

        tab_copy.wait()
        acc = lax.fori_loop(0, total // 2, pair, zeros)
        acc_v[...] = acc
        pltpu.sync_copy(acc_v, out_hbm.at[wid])

    return body(packed, fei, attr)


def kernel(node_pos, full_edge_index, full_edge_attr, edge_index, batch):
    del edge_index, batch
    n_nodes = node_pos.shape[0]
    n_edges = full_edge_index.shape[1]
    n_graphs = 16

    bits = lax.bitcast_convert_type(node_pos, jnp.int32)
    rb = bits + jnp.int32(0x7FFF) + ((bits >> 16) & 1)
    packed = (rb[:, 0] & jnp.int32(-65536)) | ((rb[:, 1] >> 16) & jnp.int32(0xFFFF))

    partials = _stress_sc(
        packed,
        full_edge_index,
        full_edge_attr.reshape(-1),
        n_nodes=n_nodes,
        n_edges=n_edges,
    )
    return jnp.sum(partials) / n_graphs

# --- scband reference (transcript-rebuilt; emitter-appended) ---
"""Pipeline reference for scband-stress-26860725469292 (READ-ONLY COPY).

The authoritative reference and input builder live on the scoring server;
editing this copy changes nothing except your own understanding.
"""

import jax, jax.numpy as jnp
import numpy as np

N = 100000
E = 6400000
G = 16

def setup_inputs(seed: int = 0) -> dict:
    key = jax.random.key(seed)
    k1, k2, k3, k4, k5 = jax.random.split(key, 5)
    node_pos = jax.random.normal(k1, (N, 2), dtype=jnp.float32)
    full_edge_index = jax.random.randint(k2, (2, E), 0, N, dtype=jnp.int32)
    # target distances: keep strictly positive to avoid div-by-zero (graph-theoretic distances are >= small positive)
    full_edge_attr = jax.random.uniform(k3, (E, 1), dtype=jnp.float32, minval=0.5, maxval=2.0)
    edge_index = jax.random.randint(k4, (2, E), 0, N, dtype=jnp.int32)
    batch = jnp.sort(jax.random.randint(k5, (N,), 0, G, dtype=jnp.int32))
    return {"node_pos": node_pos, "full_edge_index": full_edge_index, "full_edge_attr": full_edge_attr, "edge_index": edge_index, "batch": batch}

def reference(node_pos, full_edge_index, full_edge_attr, edge_index, batch):
    # get_full_edges: edges = node_pos[full_edge_index.T] -> [E, 2, d]
    start = jnp.take(node_pos, full_edge_index[0], axis=0)
    end = jnp.take(node_pos, full_edge_index[1], axis=0)
    eu = jnp.linalg.norm(start - end, axis=1)
    d = full_edge_attr[:, 0]
    edge_stress = jnp.square(jnp.abs(eu - d) / d)
    index = jnp.take(batch, edge_index[0], axis=0)
    graph_stress = jax.ops.segment_sum(edge_stress, index, num_segments=G)
    # self.reduce = torch.mean
    return jnp.mean(graph_stress)

if __name__ == "__main__":
    import jax
    _d = setup_inputs()
    print(jax.jit(kernel)(*tuple(_d.values())))

</pallas_src>

<mosaic_0001>
#map = affine_map<(d0, d1) -> (0)>
#map1 = affine_map<(d0, d1) -> (0, 0)>
module attributes {stable_mosaic.version = 14 : i64} {
  func.func @body(%arg0: i32, %arg1: i32, %arg2: memref<100000xi32, #tpu.memory_space<hbm>>, %arg3: memref<2x6400000xi32, #tpu.memory_space<hbm>>, %arg4: memref<6400000xf32, #tpu.memory_space<hbm>>, %arg5: memref<32x16xf32, #tpu.memory_space<hbm>>, %arg6: memref<100000xi32, #tpu.memory_space<vmem>>, %arg7: memref<2x2048xi32, #tpu.memory_space<vmem>>, %arg8: memref<2x2048xi32, #tpu.memory_space<vmem>>, %arg9: memref<2048xf32, #tpu.memory_space<vmem>>, %arg10: memref<2048xf32, #tpu.memory_space<vmem>>, %arg11: memref<16xf32, #tpu.memory_space<vmem>>, %arg12: memref<!tpu.dma_semaphore, #tpu.memory_space<semaphore_mem>>, %arg13: memref<!tpu.dma_semaphore, #tpu.memory_space<semaphore_mem>>, %arg14: memref<!tpu.dma_semaphore, #tpu.memory_space<semaphore_mem>>) attributes {dimension_semantics = [#tpu.dimension_semantics<core_parallel>, #tpu.dimension_semantics<subcore_parallel>], iteration_bounds = array<i64: 2, 16>, scalar_prefetch = 0 : i64, scratch_operands = 9 : i64, tpu.core_type = #tpu.core_type<sc_vector_subcore>, window_params = [{transform_indices = #map}, {transform_indices = #map1}, {transform_indices = #map}, {transform_indices = #map1}]} {
    %mul3A = arith.constant 16 : i32
    %mul3A_0 = arith.muli %arg0, %mul3A : i32
    %add3A = arith.addi %mul3A_0, %arg1 : i32
    %mul3A_1 = arith.constant 97 : i32
    %mul3A_2 = arith.muli %add3A, %mul3A_1 : i32
    %min3A = arith.constant 21 : i32
    %min3A_3 = arith.minsi %add3A, %min3A : i32
    %add3A_4 = arith.addi %mul3A_2, %min3A_3 : i32
    %lt3A = arith.constant 21 : i32
    %lt3A_5 = arith.cmpi slt, %add3A, %lt3A : i32
    %jit3A = arith.constant 1 : i32
    %jit3A_6 = arith.constant 0 : i32
    %select_n3A = arith.select %lt3A_5, %jit3A, %jit3A_6 : i32
    %add3A_7 = arith.constant 97 : i32
    %add3A_8 = arith.addi %add3A_7, %select_n3A : i32
    %add3A_9 = arith.addi %add3A_4, %add3A_8 : i32
    %sub3A = arith.constant 1 : i32
    %sub3A_10 = arith.subi %add3A_9, %sub3A : i32
    tpu.enqueue_dma source(%arg2 : memref<100000xi32, #tpu.memory_space<hbm>>) target(%arg6 : memref<100000xi32, #tpu.memory_space<vmem>>) target_semaphore(%arg14 : memref<!tpu.dma_semaphore, #tpu.memory_space<semaphore_mem>>)
    %broadcast_in_dim3A = arith.constant 0.000000e+00 : f32
    %broadcast_in_dim3A_11 = vector.broadcast %broadcast_in_dim3A : f32 to vector<16xf32>
    %min3A_12 = arith.minsi %add3A_4, %sub3A_10 : i32
    %mul3A_13 = arith.constant 2048 : i32
    %mul3A_14 = arith.muli %min3A_12, %mul3A_13 : i32
    %dma_start3A = arith.constant 0 : i32
    %dma_start3A_15 = tpu.memref_slice %arg3[%dma_start3A, %mul3A_14] : memref<2x6400000xi32, #tpu.memory_space<hbm>> -> memref<2x2048xi32, #tpu.memory_space<hbm>>
    %dma_start3A_16 = arith.constant 0 : i32
    %dma_start3A_17 = tpu.memref_slice %arg3[%dma_start3A_16, %mul3A_14] : memref<2x6400000xi32, #tpu.memory_space<hbm>> -> memref<2x2048xi32, #tpu.memory_space<hbm>>
    tpu.enqueue_dma source(%dma_start3A_17 : memref<2x2048xi32, #tpu.memory_space<hbm>>) target(%arg7 : memref<2x2048xi32, #tpu.memory_space<vmem>>) target_semaphore(%arg12 : memref<!tpu.dma_semaphore, #tpu.memory_space<semaphore_mem>>)
    %mul3A_18 = arith.constant 2048 : i32
    %mul3A_19 = arith.muli %min3A_12, %mul3A_18 : i32
    %dma_start3A_20 = tpu.memref_slice %arg4[%mul3A_19] : memref<6400000xf32, #tpu.memory_space<hbm>> -> memref<2048xf32, #tpu.memory_space<hbm>>
    %dma_start3A_21 = tpu.memref_slice %arg4[%mul3A_19] : memref<6400000xf32, #tpu.memory_space<hbm>> -> memref<2048xf32, #tpu.memory_space<hbm>>
    tpu.enqueue_dma source(%dma_start3A_21 : memref<2048xf32, #tpu.memory_space<hbm>>) target(%arg9 : memref<2048xf32, #tpu.memory_space<vmem>>) target_semaphore(%arg12 : memref<!tpu.dma_semaphore, #tpu.memory_space<semaphore_mem>>)
    tpu.wait_dma2 semaphore(%arg14 : memref<!tpu.dma_semaphore, #tpu.memory_space<semaphore_mem>>) src(%arg2 : memref<100000xi32, #tpu.memory_space<hbm>>) dst(%arg6 : memref<100000xi32, #tpu.memory_space<vmem>>)
    %scan3A = arith.constant 1597466888 : i32
    %scan3A_22 = arith.constant 0.501666725 : f32
    %scan3A_23 = arith.constant 1.502650e+00 : f32
    %scan3A_24 = arith.constant 0 : i32
    %scan3A_25 = arith.constant 49 : i32
    %scan3A_26 = arith.addi %scan3A_24, %scan3A_25 : i32
    %scan3A_27 = arith.constant 1 : i32
    %scan3A_28 = scf.for %scan3A_31 = %scan3A_24 to %scan3A_26 step %scan3A_27 iter_args(%scan3A_32 = %broadcast_in_dim3A_11) -> (vector<16xf32>)  : i32 {
      %mul3A_33 = arith.constant 2 : i32
      %mul3A_34 = arith.muli %mul3A_33, %scan3A_31 : i32
      %add3A_35 = arith.addi %add3A_4, %mul3A_34 : i32
      %add3A_36 = arith.constant 1 : i32
      %add3A_37 = arith.addi %add3A_35, %add3A_36 : i32
      %min3A_38 = arith.minsi %add3A_37, %sub3A_10 : i32
      %mul3A_39 = arith.constant 2048 : i32
      %mul3A_40 = arith.muli %min3A_38, %mul3A_39 : i32
      %dma_start3A_41 = arith.constant 0 : i32
      %dma_start3A_42 = tpu.memref_slice %arg3[%dma_start3A_41, %mul3A_40] : memref<2x6400000xi32, #tpu.memory_space<hbm>> -> memref<2x2048xi32, #tpu.memory_space<hbm>>
      %dma_start3A_43 = arith.constant 0 : i32
      %dma_start3A_44 = tpu.memref_slice %arg3[%dma_start3A_43, %mul3A_40] : memref<2x6400000xi32, #tpu.memory_space<hbm>> -> memref<2x2048xi32, #tpu.memory_space<hbm>>
      tpu.enqueue_dma source(%dma_start3A_44 : memref<2x2048xi32, #tpu.memory_space<hbm>>) target(%arg8 : memref<2x2048xi32, #tpu.memory_space<vmem>>) target_semaphore(%arg13 : memref<!tpu.dma_semaphore, #tpu.memory_space<semaphore_mem>>)
      %mul3A_45 = arith.constant 2048 : i32
      %mul3A_46 = arith.muli %min3A_38, %mul3A_45 : i32
      %dma_start3A_47 = tpu.memref_slice %arg4[%mul3A_46] : memref<6400000xf32, #tpu.memory_space<hbm>> -> memref<2048xf32, #tpu.memory_space<hbm>>
      %dma_start3A_48 = tpu.memref_slice %arg4[%mul3A_46] : memref<6400000xf32, #tpu.memory_space<hbm>> -> memref<2048xf32, #tpu.memory_space<hbm>>
      tpu.enqueue_dma source(%dma_start3A_48 : memref<2048xf32, #tpu.memory_space<hbm>>) target(%arg10 : memref<2048xf32, #tpu.memory_space<vmem>>) target_semaphore(%arg13 : memref<!tpu.dma_semaphore, #tpu.memory_space<semaphore_mem>>)
      %dma_wait3A = arith.constant 0 : i32
      %dma_wait3A_49 = arith.constant 0 : i32
      %dma_wait3A_50 = tpu.memref_slice %arg3[%dma_wait3A, %dma_wait3A_49] : memref<2x6400000xi32, #tpu.memory_space<hbm>> -> memref<2x2048xi32, #tpu.memory_space<hbm>>
      %dma_wait3A_51 = arith.constant 0 : i32
      %dma_wait3A_52 = arith.constant 0 : i32
      %dma_wait3A_53 = tpu.memref_slice %arg3[%dma_wait3A_51, %dma_wait3A_52] : memref<2x6400000xi32, #tpu.memory_space<hbm>> -> memref<2x2048xi32, #tpu.memory_space<hbm>>
      tpu.wait_dma2 semaphore(%arg12 : memref<!tpu.dma_semaphore, #tpu.memory_space<semaphore_mem>>) src(%dma_wait3A_53 : memref<2x2048xi32, #tpu.memory_space<hbm>>) dst(%arg7 : memref<2x2048xi32, #tpu.memory_space<vmem>>)
      %dma_wait3A_54 = arith.constant 0 : i32
      %dma_wait3A_55 = tpu.memref_slice %arg4[%dma_wait3A_54] : memref<6400000xf32, #tpu.memory_space<hbm>> -> memref<2048xf32, #tpu.memory_space<hbm>>
      %dma_wait3A_56 = arith.constant 0 : i32
      %dma_wait3A_57 = tpu.memref_slice %arg4[%dma_wait3A_56] : memref<6400000xf32, #tpu.memory_space<hbm>> -> memref<2048xf32, #tpu.memory_space<hbm>>
      tpu.wait_dma2 semaphore(%arg12 : memref<!tpu.dma_semaphore, #tpu.memory_space<semaphore_mem>>) src(%dma_wait3A_57 : memref<2048xf32, #tpu.memory_space<hbm>>) dst(%arg9 : memref<2048xf32, #tpu.memory_space<vmem>>)
      %scan3A_58 = arith.constant 0 : i32
      %scan3A_59 = arith.constant 128 : i32
      %scan3A_60 = arith.addi %scan3A_58, %scan3A_59 : i32
      %scan3A_61 = arith.constant 4 : i32
      %scan3A_62 = scf.for %scan3A_94 = %scan3A_58 to %scan3A_60 step %scan3A_61 iter_args(%scan3A_95 = %broadcast_in_dim3A_11) -> (vector<16xf32>)  : i32 {
        %mul3A_96 = arith.constant 16 : i32
        %mul3A_97 = arith.muli %scan3A_94, %mul3A_96 : i32
        %get3A = arith.constant 0 : i32
        %get3A_98 = arith.index_cast %get3A : i32 to index
        %get3A_99 = arith.index_cast %mul3A_97 : i32 to index
        %get3A_100 = tpu.vector_load %arg7[%get3A_98, %get3A_99] {strides = array<i32>} : memref<2x2048xi32, #tpu.memory_space<vmem>>, vector<16xi32>,
        %mul3A_101 = arith.constant 16 : i32
        %mul3A_102 = arith.muli %scan3A_94, %mul3A_101 : i32
        %get3A_103 = arith.constant 1 : i32
        %get3A_104 = arith.index_cast %get3A_103 : i32 to index
        %get3A_105 = arith.index_cast %mul3A_102 : i32 to index
        %get3A_106 = tpu.vector_load %arg7[%get3A_104, %get3A_105] {strides = array<i32>} : memref<2x2048xi32, #tpu.memory_space<vmem>>, vector<16xi32>,
        %gather3A = tpu.vector_load_idx %arg6[%get3A_100] : memref<100000xi32, #tpu.memory_space<vmem>>[vector<16xi32>], vector<16xi32>,
        %gather3A_107 = tpu.vector_load_idx %arg6[%get3A_106] : memref<100000xi32, #tpu.memory_space<vmem>>[vector<16xi32>], vector<16xi32>,
        %mul3A_108 = arith.constant 16 : i32
        %mul3A_109 = arith.muli %scan3A_94, %mul3A_108 : i32
        %get3A_110 = arith.index_cast %mul3A_109 : i32 to index
        %get3A_111 = tpu.vector_load %arg9[%get3A_110] {strides = array<i32>} : memref<2048xf32, #tpu.memory_space<vmem>>, vector<16xf32>,
        %bitcast3A = vector.bitcast %gather3A : vector<16xi32> to vector<32xbf16>
        %bitcast3A_112 = vector.bitcast %gather3A_107 : vector<16xi32> to vector<32xbf16>
        %sub3A_113 = arith.subf %bitcast3A, %bitcast3A_112 : vector<32xbf16>
        %mul3A_114 = arith.mulf %sub3A_113, %sub3A_113 : vector<32xbf16>
        %unpack3A = tpu.unpack_subelements %mul3A_114, 0 {pack_format = #tpu.pack_format<interleaved>} : vector<32xbf16> -> vector<16xf32>
        %unpack3A_115 = tpu.unpack_subelements %mul3A_114, 1 {pack_format = #tpu.pack_format<interleaved>} : vector<32xbf16> -> vector<16xf32>
        %add3A_116 = arith.addf %unpack3A, %unpack3A_115 : vector<16xf32>
        %bitcast3A_117 = vector.bitcast %add3A_116 : vector<16xf32> to vector<16xi32>
        %shift_right_arithmetic3A = arith.constant 1 : i32
        %shift_right_arithmetic3A_118 = vector.broadcast %shift_right_arithmetic3A : i32 to vector<16xi32>
        %shift_right_arithmetic3A_119 = arith.shrsi %bitcast3A_117, %shift_right_arithmetic3A_118 : vector<16xi32>
        %sub3A_120 = vector.broadcast %scan3A : i32 to vector<16xi32>
        %sub3A_121 = arith.subi %sub3A_120, %shift_right_arithmetic3A_119 : vector<16xi32>
        %bitcast3A_122 = vector.bitcast %sub3A_121 : vector<16xi32> to vector<16xf32>
        %mul3A_123 = arith.mulf %bitcast3A_122, %bitcast3A_122 : vector<16xf32>
        %mul3A_124 = arith.mulf %add3A_116, %mul3A_123 : vector<16xf32>
        %mul3A_125 = vector.broadcast %scan3A_22 : f32 to vector<16xf32>
        %mul3A_126 = arith.mulf %mul3A_125, %mul3A_124 : vector<16xf32>
        %sub3A_127 = vector.broadcast %scan3A_23 : f32 to vector<16xf32>
        %sub3A_128 = arith.subf %sub3A_127, %mul3A_126 : vector<16xf32>
        %mul3A_129 = arith.mulf %bitcast3A_122, %sub3A_128 : vector<16xf32>
        %mul3A_130 = arith.mulf %add3A_116, %mul3A_129 : vector<16xf32>
        %sub3A_131 = arith.subf %mul3A_130, %get3A_111 : vector<16xf32>
        %div3A = arith.divf %sub3A_131, %get3A_111 : vector<16xf32>
        %mul3A_132 = arith.mulf %div3A, %div3A : vector<16xf32>
        %add3A_133 = arith.addf %scan3A_95, %mul3A_132 : vector<16xf32>
        %scan3A_134 = arith.constant 1 : i32
        %scan3A_135 = arith.addi %scan3A_94, %scan3A_134 : i32
        %mul3A_136 = arith.constant 16 : i32
        %mul3A_137 = arith.muli %scan3A_135, %mul3A_136 : i32
        %get3A_138 = arith.constant 0 : i32
        %get3A_139 = arith.index_cast %get3A_138 : i32 to index
        %get3A_140 = arith.index_cast %mul3A_137 : i32 to index
        %get3A_141 = tpu.vector_load %arg7[%get3A_139, %get3A_140] {strides = array<i32>} : memref<2x2048xi32, #tpu.memory_space<vmem>>, vector<16xi32>,
        %mul3A_142 = arith.constant 16 : i32
        %mul3A_143 = arith.muli %scan3A_135, %mul3A_142 : i32
        %get3A_144 = arith.constant 1 : i32
        %get3A_145 = arith.index_cast %get3A_144 : i32 to index
        %get3A_146 = arith.index_cast %mul3A_143 : i32 to index
        %get3A_147 = tpu.vector_load %arg7[%get3A_145, %get3A_146] {strides = array<i32>} : memref<2x2048xi32, #tpu.memory_space<vmem>>, vector<16xi32>,
        %gather3A_148 = tpu.vector_load_idx %arg6[%get3A_141] : memref<100000xi32, #tpu.memory_space<vmem>>[vector<16xi32>], vector<16xi32>,
        %gather3A_149 = tpu.vector_load_idx %arg6[%get3A_147] : memref<100000xi32, #tpu.memory_space<vmem>>[vector<16xi32>], vector<16xi32>,
        %mul3A_150 = arith.constant 16 : i32
        %mul3A_151 = arith.muli %scan3A_135, %mul3A_150 : i32
        %get3A_152 = arith.index_cast %mul3A_151 : i32 to index
        %get3A_153 = tpu.vector_load %arg9[%get3A_152] {strides = array<i32>} : memref<2048xf32, #tpu.memory_space<vmem>>, vector<16xf32>,
        %bitcast3A_154 = vector.bitcast %gather3A_148 : vector<16xi32> to vector<32xbf16>
        %bitcast3A_155 = vector.bitcast %gather3A_149 : vector<16xi32> to vector<32xbf16>
        %sub3A_156 = arith.subf %bitcast3A_154, %bitcast3A_155 : vector<32xbf16>
        %mul3A_157 = arith.mulf %sub3A_156, %sub3A_156 : vector<32xbf16>
        %unpack3A_158 = tpu.unpack_subelements %mul3A_157, 0 {pack_format = #tpu.pack_format<interleaved>} : vector<32xbf16> -> vector<16xf32>
        %unpack3A_159 = tpu.unpack_subelements %mul3A_157, 1 {pack_format = #tpu.pack_format<interleaved>} : vector<32xbf16> -> vector<16xf32>
        %add3A_160 = arith.addf %unpack3A_158, %unpack3A_159 : vector<16xf32>
        %bitcast3A_161 = vector.bitcast %add3A_160 : vector<16xf32> to vector<16xi32>
        %shift_right_arithmetic3A_162 = arith.constant 1 : i32
        %shift_right_arithmetic3A_163 = vector.broadcast %shift_right_arithmetic3A_162 : i32 to vector<16xi32>
        %shift_right_arithmetic3A_164 = arith.shrsi %bitcast3A_161, %shift_right_arithmetic3A_163 : vector<16xi32>
        %sub3A_165 = vector.broadcast %scan3A : i32 to vector<16xi32>
        %sub3A_166 = arith.subi %sub3A_165, %shift_right_arithmetic3A_164 : vector<16xi32>
        %bitcast3A_167 = vector.bitcast %sub3A_166 : vector<16xi32> to vector<16xf32>
        %mul3A_168 = arith.mulf %bitcast3A_167, %bitcast3A_167 : vector<16xf32>
        %mul3A_169 = arith.mulf %add3A_160, %mul3A_168 : vector<16xf32>
        %mul3A_170 = vector.broadcast %scan3A_22 : f32 to vector<16xf32>
        %mul3A_171 = arith.mulf %mul3A_170, %mul3A_169 : vector<16xf32>
        %sub3A_172 = vector.broadcast %scan3A_23 : f32 to vector<16xf32>
        %sub3A_173 = arith.subf %sub3A_172, %mul3A_171 : vector<16xf32>
        %mul3A_174 = arith.mulf %bitcast3A_167, %sub3A_173 : vector<16xf32>
        %mul3A_175 = arith.mulf %add3A_160, %mul3A_174 : vector<16xf32>
        %sub3A_176 = arith.subf %mul3A_175, %get3A_153 : vector<16xf32>
        %div3A_177 = arith.divf %sub3A_176, %get3A_153 : vector<16xf32>
        %mul3A_178 = arith.mulf %div3A_177, %div3A_177 : vector<16xf32>
        %add3A_179 = arith.addf %add3A_133, %mul3A_178 : vector<16xf32>
        %scan3A_180 = arith.constant 2 : i32
        %scan3A_181 = arith.addi %scan3A_94, %scan3A_180 : i32
        %mul3A_182 = arith.constant 16 : i32
        %mul3A_183 = arith.muli %scan3A_181, %mul3A_182 : i32
        %get3A_184 = arith.constant 0 : i32
        %get3A_185 = arith.index_cast %get3A_184 : i32 to index
        %get3A_186 = arith.index_cast %mul3A_183 : i32 to index
        %get3A_187 = tpu.vector_load %arg7[%get3A_185, %get3A_186] {strides = array<i32>} : memref<2x2048xi32, #tpu.memory_space<vmem>>, vector<16xi32>,
        %mul3A_188 = arith.constant 16 : i32
        %mul3A_189 = arith.muli %scan3A_181, %mul3A_188 : i32
        %get3A_190 = arith.constant 1 : i32
        %get3A_191 = arith.index_cast %get3A_190 : i32 to index
        %get3A_192 = arith.index_cast %mul3A_189 : i32 to index
        %get3A_193 = tpu.vector_load %arg7[%get3A_191, %get3A_192] {strides = array<i32>} : memref<2x2048xi32, #tpu.memory_space<vmem>>, vector<16xi32>,
        %gather3A_194 = tpu.vector_load_idx %arg6[%get3A_187] : memref<100000xi32, #tpu.memory_space<vmem>>[vector<16xi32>], vector<16xi32>,
        %gather3A_195 = tpu.vector_load_idx %arg6[%get3A_193] : memref<100000xi32, #tpu.memory_space<vmem>>[vector<16xi32>], vector<16xi32>,
        %mul3A_196 = arith.constant 16 : i32
        %mul3A_197 = arith.muli %scan3A_181, %mul3A_196 : i32
        %get3A_198 = arith.index_cast %mul3A_197 : i32 to index
        %get3A_199 = tpu.vector_load %arg9[%get3A_198] {strides = array<i32>} : memref<2048xf32, #tpu.memory_space<vmem>>, vector<16xf32>,
        %bitcast3A_200 = vector.bitcast %gather3A_194 : vector<16xi32> to vector<32xbf16>
        %bitcast3A_201 = vector.bitcast %gather3A_195 : vector<16xi32> to vector<32xbf16>
        %sub3A_202 = arith.subf %bitcast3A_200, %bitcast3A_201 : vector<32xbf16>
        %mul3A_203 = arith.mulf %sub3A_202, %sub3A_202 : vector<32xbf16>
        %unpack3A_204 = tpu.unpack_subelements %mul3A_203, 0 {pack_format = #tpu.pack_format<interleaved>} : vector<32xbf16> -> vector<16xf32>
        %unpack3A_205 = tpu.unpack_subelements %mul3A_203, 1 {pack_format = #tpu.pack_format<interleaved>} : vector<32xbf16> -> vector<16xf32>
        %add3A_206 = arith.addf %unpack3A_204, %unpack3A_205 : vector<16xf32>
        %bitcast3A_207 = vector.bitcast %add3A_206 : vector<16xf32> to vector<16xi32>
        %shift_right_arithmetic3A_208 = arith.constant 1 : i32
        %shift_right_arithmetic3A_209 = vector.broadcast %shift_right_arithmetic3A_208 : i32 to vector<16xi32>
        %shift_right_arithmetic3A_210 = arith.shrsi %bitcast3A_207, %shift_right_arithmetic3A_209 : vector<16xi32>
        %sub3A_211 = vector.broadcast %scan3A : i32 to vector<16xi32>
        %sub3A_212 = arith.subi %sub3A_211, %shift_right_arithmetic3A_210 : vector<16xi32>
        %bitcast3A_213 = vector.bitcast %sub3A_212 : vector<16xi32> to vector<16xf32>
        %mul3A_214 = arith.mulf %bitcast3A_213, %bitcast3A_213 : vector<16xf32>
        %mul3A_215 = arith.mulf %add3A_206, %mul3A_214 : vector<16xf32>
        %mul3A_216 = vector.broadcast %scan3A_22 : f32 to vector<16xf32>
        %mul3A_217 = arith.mulf %mul3A_216, %mul3A_215 : vector<16xf32>
        %sub3A_218 = vector.broadcast %scan3A_23 : f32 to vector<16xf32>
        %sub3A_219 = arith.subf %sub3A_218, %mul3A_217 : vector<16xf32>
        %mul3A_220 = arith.mulf %bitcast3A_213, %sub3A_219 : vector<16xf32>
        %mul3A_221 = arith.mulf %add3A_206, %mul3A_220 : vector<16xf32>
        %sub3A_222 = arith.subf %mul3A_221, %get3A_199 : vector<16xf32>
        %div3A_223 = arith.divf %sub3A_222, %get3A_199 : vector<16xf32>
        %mul3A_224 = arith.mulf %div3A_223, %div3A_223 : vector<16xf32>
        %add3A_225 = arith.addf %add3A_179, %mul3A_224 : vector<16xf32>
        %scan3A_226 = arith.constant 3 : i32
        %scan3A_227 = arith.addi %scan3A_94, %scan3A_226 : i32
        %mul3A_228 = arith.constant 16 : i32
        %mul3A_229 = arith.muli %scan3A_227, %mul3A_228 : i32
        %get3A_230 = arith.constant 0 : i32
        %get3A_231 = arith.index_cast %get3A_230 : i32 to index
        %get3A_232 = arith.index_cast %mul3A_229 : i32 to index
        %get3A_233 = tpu.vector_load %arg7[%get3A_231, %get3A_232] {strides = array<i32>} : memref<2x2048xi32, #tpu.memory_space<vmem>>, vector<16xi32>,
        %mul3A_234 = arith.constant 16 : i32
        %mul3A_235 = arith.muli %scan3A_227, %mul3A_234 : i32
        %get3A_236 = arith.constant 1 : i32
        %get3A_237 = arith.index_cast %get3A_236 : i32 to index
        %get3A_238 = arith.index_cast %mul3A_235 : i32 to index
        %get3A_239 = tpu.vector_load %arg7[%get3A_237, %get3A_238] {strides = array<i32>} : memref<2x2048xi32, #tpu.memory_space<vmem>>, vector<16xi32>,
        %gather3A_240 = tpu.vector_load_idx %arg6[%get3A_233] : memref<100000xi32, #tpu.memory_space<vmem>>[vector<16xi32>], vector<16xi32>,
        %gather3A_241 = tpu.vector_load_idx %arg6[%get3A_239] : memref<100000xi32, #tpu.memory_space<vmem>>[vector<16xi32>], vector<16xi32>,
        %mul3A_242 = arith.constant 16 : i32
        %mul3A_243 = arith.muli %scan3A_227, %mul3A_242 : i32
        %get3A_244 = arith.index_cast %mul3A_243 : i32 to index
        %get3A_245 = tpu.vector_load %arg9[%get3A_244] {strides = array<i32>} : memref<2048xf32, #tpu.memory_space<vmem>>, vector<16xf32>,
        %bitcast3A_246 = vector.bitcast %gather3A_240 : vector<16xi32> to vector<32xbf16>
        %bitcast3A_247 = vector.bitcast %gather3A_241 : vector<16xi32> to vector<32xbf16>
        %sub3A_248 = arith.subf %bitcast3A_246, %bitcast3A_247 : vector<32xbf16>
        %mul3A_249 = arith.mulf %sub3A_248, %sub3A_248 : vector<32xbf16>
        %unpack3A_250 = tpu.unpack_subelements %mul3A_249, 0 {pack_format = #tpu.pack_format<interleaved>} : vector<32xbf16> -> vector<16xf32>
        %unpack3A_251 = tpu.unpack_subelements %mul3A_249, 1 {pack_format = #tpu.pack_format<interleaved>} : vector<32xbf16> -> vector<16xf32>
        %add3A_252 = arith.addf %unpack3A_250, %unpack3A_251 : vector<16xf32>
        %bitcast3A_253 = vector.bitcast %add3A_252 : vector<16xf32> to vector<16xi32>
        %shift_right_arithmetic3A_254 = arith.constant 1 : i32
        %shift_right_arithmetic3A_255 = vector.broadcast %shift_right_arithmetic3A_254 : i32 to vector<16xi32>
        %shift_right_arithmetic3A_256 = arith.shrsi %bitcast3A_253, %shift_right_arithmetic3A_255 : vector<16xi32>
        %sub3A_257 = vector.broadcast %scan3A : i32 to vector<16xi32>
        %sub3A_258 = arith.subi %sub3A_257, %shift_right_arithmetic3A_256 : vector<16xi32>
        %bitcast3A_259 = vector.bitcast %sub3A_258 : vector<16xi32> to vector<16xf32>
        %mul3A_260 = arith.mulf %bitcast3A_259, %bitcast3A_259 : vector<16xf32>
        %mul3A_261 = arith.mulf %add3A_252, %mul3A_260 : vector<16xf32>
        %mul3A_262 = vector.broadcast %scan3A_22 : f32 to vector<16xf32>
        %mul3A_263 = arith.mulf %mul3A_262, %mul3A_261 : vector<16xf32>
        %sub3A_264 = vector.broadcast %scan3A_23 : f32 to vector<16xf32>
        %sub3A_265 = arith.subf %sub3A_264, %mul3A_263 : vector<16xf32>
        %mul3A_266 = arith.mulf %bitcast3A_259, %sub3A_265 : vector<16xf32>
        %mul3A_267 = arith.mulf %add3A_252, %mul3A_266 : vector<16xf32>
        %sub3A_268 = arith.subf %mul3A_267, %get3A_245 : vector<16xf32>
        %div3A_269 = arith.divf %sub3A_268, %get3A_245 : vector<16xf32>
        %mul3A_270 = arith.mulf %div3A_269, %div3A_269 : vector<16xf32>
        %add3A_271 = arith.addf %add3A_225, %mul3A_270 : vector<16xf32>
        scf.yield %add3A_271 : vector<16xf32>
      }
      %scan3A_63 = arith.constant 128 : i32
      %le3A = arith.cmpi sle, %add3A_35, %sub3A_10 : i32
      %select_n3A_64 = arith.select %le3A, %scan3A_62, %broadcast_in_dim3A_11 : vector<16xf32>
      %add3A_65 = arith.addf %scan3A_32, %select_n3A_64 : vector<16xf32>
      %mul3A_66 = arith.constant 2 : i32
      %mul3A_67 = arith.muli %mul3A_66, %scan3A_31 : i32
      %add3A_68 = arith.constant 2 : i32
      %add3A_69 = arith.addi %mul3A_67, %add3A_68 : i32
      %lt3A_70 = arith.constant 98 : i32
      %lt3A_71 = arith.cmpi slt, %add3A_69, %lt3A_70 : i32
      %convert_element_type3A = arith.extui %lt3A_71 : i1 to i32
      %cond3A = arith.constant 0 : i32
      %cond3A_72 = arith.cmpi ne, %convert_element_type3A, %cond3A : i32
      scf.if %cond3A_72 {
        %add3A_94 = arith.constant 2 : i32
        %add3A_95 = arith.addi %add3A_35, %add3A_94 : i32
        %min3A_96 = arith.minsi %add3A_95, %sub3A_10 : i32
        %mul3A_97 = arith.constant 2048 : i32
        %mul3A_98 = arith.muli %min3A_96, %mul3A_97 : i32
        %dma_start3A_99 = arith.constant 0 : i32
        %dma_start3A_100 = tpu.memref_slice %arg3[%dma_start3A_99, %mul3A_98] : memref<2x6400000xi32, #tpu.memory_space<hbm>> -> memref<2x2048xi32, #tpu.memory_space<hbm>>
        %dma_start3A_101 = arith.constant 0 : i32
        %dma_start3A_102 = tpu.memref_slice %arg3[%dma_start3A_101, %mul3A_98] : memref<2x6400000xi32, #tpu.memory_space<hbm>> -> memref<2x2048xi32, #tpu.memory_space<hbm>>
        tpu.enqueue_dma source(%dma_start3A_102 : memref<2x2048xi32, #tpu.memory_space<hbm>>) target(%arg7 : memref<2x2048xi32, #tpu.memory_space<vmem>>) target_semaphore(%arg12 : memref<!tpu.dma_semaphore, #tpu.memory_space<semaphore_mem>>)
        %mul3A_103 = arith.constant 2048 : i32
        %mul3A_104 = arith.muli %min3A_96, %mul3A_103 : i32
        %dma_start3A_105 = tpu.memref_slice %arg4[%mul3A_104] : memref<6400000xf32, #tpu.memory_space<hbm>> -> memref<2048xf32, #tpu.memory_space<hbm>>
        %dma_start3A_106 = tpu.memref_slice %arg4[%mul3A_104] : memref<6400000xf32, #tpu.memory_space<hbm>> -> memref<2048xf32, #tpu.memory_space<hbm>>
        tpu.enqueue_dma source(%dma_start3A_106 : memref<2048xf32, #tpu.memory_space<hbm>>) target(%arg9 : memref<2048xf32, #tpu.memory_space<vmem>>) target_semaphore(%arg12 : memref<!tpu.dma_semaphore, #tpu.memory_space<semaphore_mem>>)
      } else {
      }
      %dma_wait3A_73 = arith.constant 0 : i32
      %dma_wait3A_74 = arith.constant 0 : i32
      %dma_wait3A_75 = tpu.memref_slice %arg3[%dma_wait3A_73, %dma_wait3A_74] : memref<2x6400000xi32, #tpu.memory_space<hbm>> -> memref<2x2048xi32, #tpu.memory_space<hbm>>
      %dma_wait3A_76 = arith.constant 0 : i32
      %dma_wait3A_77 = arith.constant 0 : i32
      %dma_wait3A_78 = tpu.memref_slice %arg3[%dma_wait3A_76, %dma_wait3A_77] : memref<2x6400000xi32, #tpu.memory_space<hbm>> -> memref<2x2048xi32, #tpu.memory_space<hbm>>
      tpu.wait_dma2 semaphore(%arg13 : memref<!tpu.dma_semaphore, #tpu.memory_space<semaphore_mem>>) src(%dma_wait3A_78 : memref<2x2048xi32, #tpu.memory_space<hbm>>) dst(%arg8 : memref<2x2048xi32, #tpu.memory_space<vmem>>)
      %dma_wait3A_79 = arith.constant 0 : i32
      %dma_wait3A_80 = tpu.memref_slice %arg4[%dma_wait3A_79] : memref<6400000xf32, #tpu.memory_space<hbm>> -> memref<2048xf32, #tpu.memory_space<hbm>>
      %dma_wait3A_81 = arith.constant 0 : i32
      %dma_wait3A_82 = tpu.memref_slice %arg4[%dma_wait3A_81] : memref<6400000xf32, #tpu.memory_space<hbm>> -> memref<2048xf32, #tpu.memory_space<hbm>>
      tpu.wait_dma2 semaphore(%arg13 : memref<!tpu.dma_semaphore, #tpu.memory_space<semaphore_mem>>) src(%dma_wait3A_82 : memref<2048xf32, #tpu.memory_space<hbm>>) dst(%arg10 : memref<2048xf32, #tpu.memory_space<vmem>>)
      %add3A_83 = arith.constant 1 : i32
      %add3A_84 = arith.addi %add3A_35, %add3A_83 : i32
      %scan3A_85 = arith.constant 0 : i32
      %scan3A_86 = arith.constant 128 : i32
      %scan3A_87 = arith.addi %scan3A_85, %scan3A_86 : i32
      %scan3A_88 = arith.constant 4 : i32
      %scan3A_89 = scf.for %scan3A_94 = %scan3A_85 to %scan3A_87 step %scan3A_88 iter_args(%scan3A_95 = %broadcast_in_dim3A_11) -> (vector<16xf32>)  : i32 {
        %mul3A_96 = arith.constant 16 : i32
        %mul3A_97 = arith.muli %scan3A_94, %mul3A_96 : i32
        %get3A = arith.constant 0 : i32
        %get3A_98 = arith.index_cast %get3A : i32 to index
        %get3A_99 = arith.index_cast %mul3A_97 : i32 to index
        %get3A_100 = tpu.vector_load %arg8[%get3A_98, %get3A_99] {strides = array<i32>} : memref<2x2048xi32, #tpu.memory_space<vmem>>, vector<16xi32>,
        %mul3A_101 = arith.constant 16 : i32
        %mul3A_102 = arith.muli %scan3A_94, %mul3A_101 : i32
        %get3A_103 = arith.constant 1 : i32
        %get3A_104 = arith.index_cast %get3A_103 : i32 to index
        %get3A_105 = arith.index_cast %mul3A_102 : i32 to index
        %get3A_106 = tpu.vector_load %arg8[%get3A_104, %get3A_105] {strides = array<i32>} : memref<2x2048xi32, #tpu.memory_space<vmem>>, vector<16xi32>,
        %gather3A = tpu.vector_load_idx %arg6[%get3A_100] : memref<100000xi32, #tpu.memory_space<vmem>>[vector<16xi32>], vector<16xi32>,
        %gather3A_107 = tpu.vector_load_idx %arg6[%get3A_106] : memref<100000xi32, #tpu.memory_space<vmem>>[vector<16xi32>], vector<16xi32>,
        %mul3A_108 = arith.constant 16 : i32
        %mul3A_109 = arith.muli %scan3A_94, %mul3A_108 : i32
        %get3A_110 = arith.index_cast %mul3A_109 : i32 to index
        %get3A_111 = tpu.vector_load %arg10[%get3A_110] {strides = array<i32>} : memref<2048xf32, #tpu.memory_space<vmem>>, vector<16xf32>,
        %bitcast3A = vector.bitcast %gather3A : vector<16xi32> to vector<32xbf16>
        %bitcast3A_112 = vector.bitcast %gather3A_107 : vector<16xi32> to vector<32xbf16>
        %sub3A_113 = arith.subf %bitcast3A, %bitcast3A_112 : vector<32xbf16>
        %mul3A_114 = arith.mulf %sub3A_113, %sub3A_113 : vector<32xbf16>
        %unpack3A = tpu.unpack_subelements %mul3A_114, 0 {pack_format = #tpu.pack_format<interleaved>} : vector<32xbf16> -> vector<16xf32>
        %unpack3A_115 = tpu.unpack_subelements %mul3A_114, 1 {pack_format = #tpu.pack_format<interleaved>} : vector<32xbf16> -> vector<16xf32>
        %add3A_116 = arith.addf %unpack3A, %unpack3A_115 : vector<16xf32>
        %bitcast3A_117 = vector.bitcast %add3A_116 : vector<16xf32> to vector<16xi32>
        %shift_right_arithmetic3A = arith.constant 1 : i32
        %shift_right_arithmetic3A_118 = vector.broadcast %shift_right_arithmetic3A : i32 to vector<16xi32>
        %shift_right_arithmetic3A_119 = arith.shrsi %bitcast3A_117, %shift_right_arithmetic3A_118 : vector<16xi32>
        %sub3A_120 = vector.broadcast %scan3A : i32 to vector<16xi32>
        %sub3A_121 = arith.subi %sub3A_120, %shift_right_arithmetic3A_119 : vector<16xi32>
        %bitcast3A_122 = vector.bitcast %sub3A_121 : vector<16xi32> to vector<16xf32>
        %mul3A_123 = arith.mulf %bitcast3A_122, %bitcast3A_122 : vector<16xf32>
        %mul3A_124 = arith.mulf %add3A_116, %mul3A_123 : vector<16xf32>
        %mul3A_125 = vector.broadcast %scan3A_22 : f32 to vector<16xf32>
        %mul3A_126 = arith.mulf %mul3A_125, %mul3A_124 : vector<16xf32>
        %sub3A_127 = vector.broadcast %scan3A_23 : f32 to vector<16xf32>
        %sub3A_128 = arith.subf %sub3A_127, %mul3A_126 : vector<16xf32>
        %mul3A_129 = arith.mulf %bitcast3A_122, %sub3A_128 : vector<16xf32>
        %mul3A_130 = arith.mulf %add3A_116, %mul3A_129 : vector<16xf32>
        %sub3A_131 = arith.subf %mul3A_130, %get3A_111 : vector<16xf32>
        %div3A = arith.divf %sub3A_131, %get3A_111 : vector<16xf32>
        %mul3A_132 = arith.mulf %div3A, %div3A : vector<16xf32>
        %add3A_133 = arith.addf %scan3A_95, %mul3A_132 : vector<16xf32>
        %scan3A_134 = arith.constant 1 : i32
        %scan3A_135 = arith.addi %scan3A_94, %scan3A_134 : i32
        %mul3A_136 = arith.constant 16 : i32
        %mul3A_137 = arith.muli %scan3A_135, %mul3A_136 : i32
        %get3A_138 = arith.constant 0 : i32
        %get3A_139 = arith.index_cast %get3A_138 : i32 to index
        %get3A_140 = arith.index_cast %mul3A_137 : i32 to index
        %get3A_141 = tpu.vector_load %arg8[%get3A_139, %get3A_140] {strides = array<i32>} : memref<2x2048xi32, #tpu.memory_space<vmem>>, vector<16xi32>,
        %mul3A_142 = arith.constant 16 : i32
        %mul3A_143 = arith.muli %scan3A_135, %mul3A_142 : i32
        %get3A_144 = arith.constant 1 : i32
        %get3A_145 = arith.index_cast %get3A_144 : i32 to index
        %get3A_146 = arith.index_cast %mul3A_143 : i32 to index
        %get3A_147 = tpu.vector_load %arg8[%get3A_145, %get3A_146] {strides = array<i32>} : memref<2x2048xi32, #tpu.memory_space<vmem>>, vector<16xi32>,
        %gather3A_148 = tpu.vector_load_idx %arg6[%get3A_141] : memref<100000xi32, #tpu.memory_space<vmem>>[vector<16xi32>], vector<16xi32>,
        %gather3A_149 = tpu.vector_load_idx %arg6[%get3A_147] : memref<100000xi32, #tpu.memory_space<vmem>>[vector<16xi32>], vector<16xi32>,
        %mul3A_150 = arith.constant 16 : i32
        %mul3A_151 = arith.muli %scan3A_135, %mul3A_150 : i32
        %get3A_152 = arith.index_cast %mul3A_151 : i32 to index
        %get3A_153 = tpu.vector_load %arg10[%get3A_152] {strides = array<i32>} : memref<2048xf32, #tpu.memory_space<vmem>>, vector<16xf32>,
        %bitcast3A_154 = vector.bitcast %gather3A_148 : vector<16xi32> to vector<32xbf16>
        %bitcast3A_155 = vector.bitcast %gather3A_149 : vector<16xi32> to vector<32xbf16>
        %sub3A_156 = arith.subf %bitcast3A_154, %bitcast3A_155 : vector<32xbf16>
        %mul3A_157 = arith.mulf %sub3A_156, %sub3A_156 : vector<32xbf16>
        %unpack3A_158 = tpu.unpack_subelements %mul3A_157, 0 {pack_format = #tpu.pack_format<interleaved>} : vector<32xbf16> -> vector<16xf32>
        %unpack3A_159 = tpu.unpack_subelements %mul3A_157, 1 {pack_format = #tpu.pack_format<interleaved>} : vector<32xbf16> -> vector<16xf32>
        %add3A_160 = arith.addf %unpack3A_158, %unpack3A_159 : vector<16xf32>
        %bitcast3A_161 = vector.bitcast %add3A_160 : vector<16xf32> to vector<16xi32>
        %shift_right_arithmetic3A_162 = arith.constant 1 : i32
        %shift_right_arithmetic3A_163 = vector.broadcast %shift_right_arithmetic3A_162 : i32 to vector<16xi32>
        %shift_right_arithmetic3A_164 = arith.shrsi %bitcast3A_161, %shift_right_arithmetic3A_163 : vector<16xi32>
        %sub3A_165 = vector.broadcast %scan3A : i32 to vector<16xi32>
        %sub3A_166 = arith.subi %sub3A_165, %shift_right_arithmetic3A_164 : vector<16xi32>
        %bitcast3A_167 = vector.bitcast %sub3A_166 : vector<16xi32> to vector<16xf32>
        %mul3A_168 = arith.mulf %bitcast3A_167, %bitcast3A_167 : vector<16xf32>
        %mul3A_169 = arith.mulf %add3A_160, %mul3A_168 : vector<16xf32>
        %mul3A_170 = vector.broadcast %scan3A_22 : f32 to vector<16xf32>
        %mul3A_171 = arith.mulf %mul3A_170, %mul3A_169 : vector<16xf32>
        %sub3A_172 = vector.broadcast %scan3A_23 : f32 to vector<16xf32>
        %sub3A_173 = arith.subf %sub3A_172, %mul3A_171 : vector<16xf32>
        %mul3A_174 = arith.mulf %bitcast3A_167, %sub3A_173 : vector<16xf32>
        %mul3A_175 = arith.mulf %add3A_160, %mul3A_174 : vector<16xf32>
        %sub3A_176 = arith.subf %mul3A_175, %get3A_153 : vector<16xf32>
        %div3A_177 = arith.divf %sub3A_176, %get3A_153 : vector<16xf32>
        %mul3A_178 = arith.mulf %div3A_177, %div3A_177 : vector<16xf32>
        %add3A_179 = arith.addf %add3A_133, %mul3A_178 : vector<16xf32>
        %scan3A_180 = arith.constant 2 : i32
        %scan3A_181 = arith.addi %scan3A_94, %scan3A_180 : i32
        %mul3A_182 = arith.constant 16 : i32
        %mul3A_183 = arith.muli %scan3A_181, %mul3A_182 : i32
        %get3A_184 = arith.constant 0 : i32
        %get3A_185 = arith.index_cast %get3A_184 : i32 to index
        %get3A_186 = arith.index_cast %mul3A_183 : i32 to index
        %get3A_187 = tpu.vector_load %arg8[%get3A_185, %get3A_186] {strides = array<i32>} : memref<2x2048xi32, #tpu.memory_space<vmem>>, vector<16xi32>,
        %mul3A_188 = arith.constant 16 : i32
        %mul3A_189 = arith.muli %scan3A_181, %mul3A_188 : i32
        %get3A_190 = arith.constant 1 : i32
        %get3A_191 = arith.index_cast %get3A_190 : i32 to index
        %get3A_192 = arith.index_cast %mul3A_189 : i32 to index
        %get3A_193 = tpu.vector_load %arg8[%get3A_191, %get3A_192] {strides = array<i32>} : memref<2x2048xi32, #tpu.memory_space<vmem>>, vector<16xi32>,
        %gather3A_194 = tpu.vector_load_idx %arg6[%get3A_187] : memref<100000xi32, #tpu.memory_space<vmem>>[vector<16xi32>], vector<16xi32>,
        %gather3A_195 = tpu.vector_load_idx %arg6[%get3A_193] : memref<100000xi32, #tpu.memory_space<vmem>>[vector<16xi32>], vector<16xi32>,
        %mul3A_196 = arith.constant 16 : i32
        %mul3A_197 = arith.muli %scan3A_181, %mul3A_196 : i32
        %get3A_198 = arith.index_cast %mul3A_197 : i32 to index
        %get3A_199 = tpu.vector_load %arg10[%get3A_198] {strides = array<i32>} : memref<2048xf32, #tpu.memory_space<vmem>>, vector<16xf32>,
        %bitcast3A_200 = vector.bitcast %gather3A_194 : vector<16xi32> to vector<32xbf16>
        %bitcast3A_201 = vector.bitcast %gather3A_195 : vector<16xi32> to vector<32xbf16>
        %sub3A_202 = arith.subf %bitcast3A_200, %bitcast3A_201 : vector<32xbf16>
        %mul3A_203 = arith.mulf %sub3A_202, %sub3A_202 : vector<32xbf16>
        %unpack3A_204 = tpu.unpack_subelements %mul3A_203, 0 {pack_format = #tpu.pack_format<interleaved>} : vector<32xbf16> -> vector<16xf32>
        %unpack3A_205 = tpu.unpack_subelements %mul3A_203, 1 {pack_format = #tpu.pack_format<interleaved>} : vector<32xbf16> -> vector<16xf32>
        %add3A_206 = arith.addf %unpack3A_204, %unpack3A_205 : vector<16xf32>
        %bitcast3A_207 = vector.bitcast %add3A_206 : vector<16xf32> to vector<16xi32>
        %shift_right_arithmetic3A_208 = arith.constant 1 : i32
        %shift_right_arithmetic3A_209 = vector.broadcast %shift_right_arithmetic3A_208 : i32 to vector<16xi32>
        %shift_right_arithmetic3A_210 = arith.shrsi %bitcast3A_207, %shift_right_arithmetic3A_209 : vector<16xi32>
        %sub3A_211 = vector.broadcast %scan3A : i32 to vector<16xi32>
        %sub3A_212 = arith.subi %sub3A_211, %shift_right_arithmetic3A_210 : vector<16xi32>
        %bitcast3A_213 = vector.bitcast %sub3A_212 : vector<16xi32> to vector<16xf32>
        %mul3A_214 = arith.mulf %bitcast3A_213, %bitcast3A_213 : vector<16xf32>
        %mul3A_215 = arith.mulf %add3A_206, %mul3A_214 : vector<16xf32>
        %mul3A_216 = vector.broadcast %scan3A_22 : f32 to vector<16xf32>
        %mul3A_217 = arith.mulf %mul3A_216, %mul3A_215 : vector<16xf32>
        %sub3A_218 = vector.broadcast %scan3A_23 : f32 to vector<16xf32>
        %sub3A_219 = arith.subf %sub3A_218, %mul3A_217 : vector<16xf32>
        %mul3A_220 = arith.mulf %bitcast3A_213, %sub3A_219 : vector<16xf32>
        %mul3A_221 = arith.mulf %add3A_206, %mul3A_220 : vector<16xf32>
        %sub3A_222 = arith.subf %mul3A_221, %get3A_199 : vector<16xf32>
        %div3A_223 = arith.divf %sub3A_222, %get3A_199 : vector<16xf32>
        %mul3A_224 = arith.mulf %div3A_223, %div3A_223 : vector<16xf32>
        %add3A_225 = arith.addf %add3A_179, %mul3A_224 : vector<16xf32>
        %scan3A_226 = arith.constant 3 : i32
        %scan3A_227 = arith.addi %scan3A_94, %scan3A_226 : i32
        %mul3A_228 = arith.constant 16 : i32
        %mul3A_229 = arith.muli %scan3A_227, %mul3A_228 : i32
        %get3A_230 = arith.constant 0 : i32
        %get3A_231 = arith.index_cast %get3A_230 : i32 to index
        %get3A_232 = arith.index_cast %mul3A_229 : i32 to index
        %get3A_233 = tpu.vector_load %arg8[%get3A_231, %get3A_232] {strides = array<i32>} : memref<2x2048xi32, #tpu.memory_space<vmem>>, vector<16xi32>,
        %mul3A_234 = arith.constant 16 : i32
        %mul3A_235 = arith.muli %scan3A_227, %mul3A_234 : i32
        %get3A_236 = arith.constant 1 : i32
        %get3A_237 = arith.index_cast %get3A_236 : i32 to index
        %get3A_238 = arith.index_cast %mul3A_235 : i32 to index
        %get3A_239 = tpu.vector_load %arg8[%get3A_237, %get3A_238] {strides = array<i32>} : memref<2x2048xi32, #tpu.memory_space<vmem>>, vector<16xi32>,
        %gather3A_240 = tpu.vector_load_idx %arg6[%get3A_233] : memref<100000xi32, #tpu.memory_space<vmem>>[vector<16xi32>], vector<16xi32>,
        %gather3A_241 = tpu.vector_load_idx %arg6[%get3A_239] : memref<100000xi32, #tpu.memory_space<vmem>>[vector<16xi32>], vector<16xi32>,
        %mul3A_242 = arith.constant 16 : i32
        %mul3A_243 = arith.muli %scan3A_227, %mul3A_242 : i32
        %get3A_244 = arith.index_cast %mul3A_243 : i32 to index
        %get3A_245 = tpu.vector_load %arg10[%get3A_244] {strides = array<i32>} : memref<2048xf32, #tpu.memory_space<vmem>>, vector<16xf32>,
        %bitcast3A_246 = vector.bitcast %gather3A_240 : vector<16xi32> to vector<32xbf16>
        %bitcast3A_247 = vector.bitcast %gather3A_241 : vector<16xi32> to vector<32xbf16>
        %sub3A_248 = arith.subf %bitcast3A_246, %bitcast3A_247 : vector<32xbf16>
        %mul3A_249 = arith.mulf %sub3A_248, %sub3A_248 : vector<32xbf16>
        %unpack3A_250 = tpu.unpack_subelements %mul3A_249, 0 {pack_format = #tpu.pack_format<interleaved>} : vector<32xbf16> -> vector<16xf32>
        %unpack3A_251 = tpu.unpack_subelements %mul3A_249, 1 {pack_format = #tpu.pack_format<interleaved>} : vector<32xbf16> -> vector<16xf32>
        %add3A_252 = arith.addf %unpack3A_250, %unpack3A_251 : vector<16xf32>
        %bitcast3A_253 = vector.bitcast %add3A_252 : vector<16xf32> to vector<16xi32>
        %shift_right_arithmetic3A_254 = arith.constant 1 : i32
        %shift_right_arithmetic3A_255 = vector.broadcast %shift_right_arithmetic3A_254 : i32 to vector<16xi32>
        %shift_right_arithmetic3A_256 = arith.shrsi %bitcast3A_253, %shift_right_arithmetic3A_255 : vector<16xi32>
        %sub3A_257 = vector.broadcast %scan3A : i32 to vector<16xi32>
        %sub3A_258 = arith.subi %sub3A_257, %shift_right_arithmetic3A_256 : vector<16xi32>
        %bitcast3A_259 = vector.bitcast %sub3A_258 : vector<16xi32> to vector<16xf32>
        %mul3A_260 = arith.mulf %bitcast3A_259, %bitcast3A_259 : vector<16xf32>
        %mul3A_261 = arith.mulf %add3A_252, %mul3A_260 : vector<16xf32>
        %mul3A_262 = vector.broadcast %scan3A_22 : f32 to vector<16xf32>
        %mul3A_263 = arith.mulf %mul3A_262, %mul3A_261 : vector<16xf32>
        %sub3A_264 = vector.broadcast %scan3A_23 : f32 to vector<16xf32>
        %sub3A_265 = arith.subf %sub3A_264, %mul3A_263 : vector<16xf32>
        %mul3A_266 = arith.mulf %bitcast3A_259, %sub3A_265 : vector<16xf32>
        %mul3A_267 = arith.mulf %add3A_252, %mul3A_266 : vector<16xf32>
        %sub3A_268 = arith.subf %mul3A_267, %get3A_245 : vector<16xf32>
        %div3A_269 = arith.divf %sub3A_268, %get3A_245 : vector<16xf32>
        %mul3A_270 = arith.mulf %div3A_269, %div3A_269 : vector<16xf32>
        %add3A_271 = arith.addf %add3A_225, %mul3A_270 : vector<16xf32>
        scf.yield %add3A_271 : vector<16xf32>
      }
      %scan3A_90 = arith.constant 128 : i32
      %le3A_91 = arith.cmpi sle, %add3A_84, %sub3A_10 : i32
      %select_n3A_92 = arith.select %le3A_91, %scan3A_89, %broadcast_in_dim3A_11 : vector<16xf32>
      %add3A_93 = arith.addf %add3A_65, %select_n3A_92 : vector<16xf32>
      scf.yield %add3A_93 : vector<16xf32>
    }
    %scan3A_29 = arith.constant 49 : i32
    %swap3A = arith.constant 0 : index
    %swap3A_30 = tpu.vector_load %arg11[%swap3A] {strides = array<i32>} : memref<16xf32, #tpu.memory_space<vmem>>, vector<16xf32>,
    tpu.vector_store %arg11[%swap3A], %scan3A_28 {strides = array<i32>} : memref<16xf32, #tpu.memory_space<vmem>>, vector<16xf32>,
    "tpu.region"() ({
      %run_scoped3A = tpu.sem_alloc : memref<!tpu.dma_semaphore, #tpu.memory_space<semaphore_mem>>
      %dma_start3A_31 = arith.constant 0 : i32
      %dma_start3A_32 = tpu.memref_slice %arg5[%add3A, %dma_start3A_31] : memref<32x16xf32, #tpu.memory_space<hbm>> -> memref<1x16xf32, #tpu.memory_space<hbm>>
      %dma_start3A_33 = tpu.memref_squeeze %dma_start3A_32 : memref<1x16xf32, #tpu.memory_space<hbm>> -> memref<16xf32, #tpu.memory_space<hbm>>
      %dma_start3A_34 = arith.constant 0 : i32
      %dma_start3A_35 = tpu.memref_slice %arg5[%add3A, %dma_start3A_34] : memref<32x16xf32, #tpu.memory_space<hbm>> -> memref<1x16xf32, #tpu.memory_space<hbm>>
      %dma_start3A_36 = tpu.memref_squeeze %dma_start3A_35 : memref<1x16xf32, #tpu.memory_space<hbm>> -> memref<16xf32, #tpu.memory_space<hbm>>
      tpu.enqueue_dma source(%arg11 : memref<16xf32, #tpu.memory_space<vmem>>) target(%dma_start3A_36 : memref<16xf32, #tpu.memory_space<hbm>>) target_semaphore(%run_scoped3A : memref<!tpu.dma_semaphore, #tpu.memory_space<semaphore_mem>>)
      %dma_wait3A = arith.constant 0 : i32
      %dma_wait3A_37 = tpu.memref_slice %arg5[%add3A, %dma_wait3A] : memref<32x16xf32, #tpu.memory_space<hbm>> -> memref<1x16xf32, #tpu.memory_space<hbm>>
      %dma_wait3A_38 = tpu.memref_squeeze %dma_wait3A_37 : memref<1x16xf32, #tpu.memory_space<hbm>> -> memref<16xf32, #tpu.memory_space<hbm>>
      %dma_wait3A_39 = arith.constant 0 : i32
      %dma_wait3A_40 = tpu.memref_slice %arg5[%add3A, %dma_wait3A_39] : memref<32x16xf32, #tpu.memory_space<hbm>> -> memref<1x16xf32, #tpu.memory_space<hbm>>
      %dma_wait3A_41 = tpu.memref_squeeze %dma_wait3A_40 : memref<1x16xf32, #tpu.memory_space<hbm>> -> memref<16xf32, #tpu.memory_space<hbm>>
      tpu.wait_dma2 semaphore(%run_scoped3A : memref<!tpu.dma_semaphore, #tpu.memory_space<semaphore_mem>>) src(%arg11 : memref<16xf32, #tpu.memory_space<vmem>>) dst(%dma_wait3A_41 : memref<16xf32, #tpu.memory_space<hbm>>)
      tpu.yield
    }) : () -> ()
    return
  }
}

</mosaic_0001>

<sc_bundles>
// kernel: _stress_sc.3.cloned.1.call-start
scs
__scs_entry_jumppad:
0x0: {  	(pc) =	sbr.rel $0x88, $3  }
0x1: {  	(tag) =	ssettag $0x0;
	lr =	simm.s32 $0x1  }
0x2: {  	[smem:$0x3F9E] =	sst lr;
	_ =	strace $0xD0000000  }
0x3: {  	_ = 	snop  }
0x4: {  	_ = 	snop  }
0x5: {  	_ = 	snop  }
0x6: {  	_ = 	snop  }
0x7: {  	_ = 	snop  }
__scs_overlays_trampoline_lowered:
0x8: {  	[smem:$0x3FAD] =	sst s0  }
0x9: {  	[smem:$0x3FAE] =	sst s1  }
0xa: {  	[smem:$0x3FAF] =	sst s2  }
0xb: {  	[smem:$0x3FB0] =	sst s3  }
0xc: {  	[smem:$0x3FB1] =	sst s4  }
0xd: {  	[smem:$0x3FB2] =	sst s5  }
0xe: {  	[smem:$0x3FB3] =	sst s6  }
0xf: {  	[smem:$0x3FB4] =	sst s7  }
0x10: {  	[smem:$0x3FB5] =	sst s8  }
0x11: {  	[smem:$0x3FB6] =	sst s9;
	s0 =	simm.s32 @!p0 $0x0  }
0x12: {  	s1 =	sld [smem:$0x3F9C];
	s0 =	simm.s32 @p0 $0x1  }
0x13: {  	[smem:$0x3FB7] =	sst s0;
	s0 =	simm.s32 @!p1 $0x0  }
0x14: {  	s2 =	sld [smem:$0x3F9B];
	s0 =	simm.s32 @p1 $0x1  }
0x15: {  	[smem:$0x3FB8] =	sst s0;
	s0 =	simm.s32 @!p2 $0x0  }
0x16: {  	s3 =	sld [smem:$0x3FDB];
	s0 =	simm.s32 @p2 $0x1  }
0x17: {  	s4 =	simm.s32 $0x1BF5;
	[smem:$0x3FBA] =	sst s0  }
0x18: {  	s0 =	sld [smem:$0x3F9D];
	_ =	swait.ge [sflag:s4], $0x0  }
0x19: {  	s7 =	sld [smem:$0x3F9E]  }
0x1a: {  	s8 =	sadd.s32 $0xFFFFE003, lr  }
0x1b: {  	s9 =	sadd.s32 $0xFFFFFEF7, lr;
	s5 =	simm.s32 $0xFFFFFFFF;
	p2 =	slt.u32 s8, $0xFFFFF086  }
0x1c: {  	p1 =	slt.u32 s9, $0xF7A;
	s5 =	simm.s32 @!p2 $0x0  }
0x1d: {  	s5 =	simm.s32 @p1 $0x1;
	p0 =	seq.s32 s7, s2  }
0x1e: {  	s7 =	smul.u32 @!p0 $0xF7A, s2;
	p2 =	seq.s32 @!p0 s5, $0x0  }
0x1f: {  	s9 =	smul.u32 $0xF7A, s1;
	s8 =	simm.s32 @!p0 $0x1BF5;
	p2 =	por !p2, p0  }
0x20: {  	[sflag:s8] =	ssyncset.s32 @!p0 $0xFFFFF086;
	s6 =	sadd.s32 @!p0 s3, s7;
	s7 =	simm.s32 @!p0 $0x108  }
0x21: {  	s3 =	sadd.s32 s3, s9;
	s6 =	sadd.s32 @!p0 $0x88, s6;
	s7 =	simm.s32 @p2 $0x1082  }
0x22: {  	[simem:s7], [sflag:s8] =	dma.local @!p0 [hbm:s6], $0xF7A  }
0x23: {  	s9 =	sor.u32 $0xD0000000, s2;
	s6 =	simm.s32 $0x108;
	_ =	swait.ge @!p0 [sflag:s8], $0x0  }
0x24: {  	s3 =	sadd.s32 $0x88, s3;
	s6 =	simm.s32 @!p1 $0x1082;
	[sflag:s4] =	ssyncset.s32 $0xFFFFF086  }
0x25: {  	[simem:s6], [sflag:s4] =	dma.local [hbm:s3], $0xF7A  }
0x26: {  	[smem:$0x3F9E] =	sst s1;
	(tag) =	ssettag s2;
	_ =	strace s9  }
0x27: {  	s1 =	sld [smem:$0x3FAE]  }
0x28: {  	s2 =	sld [smem:$0x3FAF]  }
0x29: {  	s4 =	sld [smem:$0x3FB1]  }
0x2a: {  	p0 =	seq.s32 s5, $0x0;
	s5 =	sld [smem:$0x3FB2]  }
0x2b: {  	s6 =	sld [smem:$0x3FB3]  }
0x2c: {  	s7 =	sld [smem:$0x3FB4]  }
0x2d: {  	s3 =	simm.s32 $0x108;
	s8 =	sld [smem:$0x3FB5]  }
0x2e: {  	s3 =	simm.s32 @!p0 $0x1082;
	s9 =	sld [smem:$0x3FB6]  }
0x2f: {  	lr =	sadd.s32 s0, s3;
	s0 =	sld [smem:$0x3FAD]  }
0x30: {  	s3 =	sld [smem:$0x3FB0]  }
0x31: {  	[smem:$0x3FB9] =	sst s10  }
0x32: {  	s10 =	sld [smem:$0x3FB7];
	_ =	sdelay $0x3  }
0x33: {  	p0 =	seq.s32 s10, $0x1;
	s10 =	sld [smem:$0x3FB9];
	_ =	sdelay $0x3  }
0x34: {  	[smem:$0x3FB9] =	sst s10  }
0x35: {  	s10 =	sld [smem:$0x3FB8];
	_ =	sdelay $0x3  }
0x36: {  	p1 =	seq.s32 s10, $0x1;
	s10 =	sld [smem:$0x3FB9];
	_ =	sdelay $0x3  }
0x37: {  	[smem:$0x3FB9] =	sst s10  }
0x38: {  	s10 =	sld [smem:$0x3FBA]  }
0x39: {  	_ = 	snop;
	(pc) =	sbr.ind lr, $3  }
0x3a: {  	_ = 	snop  }
0x3b: {  	_ = 	snop  }
0x3c: {  	p2 =	seq.s32 s10, $0x1;
	s10 =	sld [smem:$0x3FB9]  }
0x3d: {  	_ =	shalt  }
0x3e: {  	_ =	shalt  }
0x3f: {  	_ =	shalt  }
0x40: {  	_ =	shalt  }
0x41: {  	_ =	shalt  }
0x42: {  	_ =	shalt  }
0x43: {  	_ =	shalt  }
0x44: {  	_ =	shalt  }
0x45: {  	_ =	shalt  }
0x46: {  	_ =	shalt  }
0x47: {  	_ =	shalt  }
0x48: {  	_ =	shalt  }
0x49: {  	_ =	shalt  }
0x4a: {  	_ =	shalt  }
0x4b: {  	_ =	shalt  }
0x4c: {  	_ =	shalt  }
0x4d: {  	_ =	shalt  }
0x4e: {  	_ =	shalt  }
0x4f: {  	_ =	shalt  }
0x50: {  	_ =	shalt  }
0x51: {  	_ =	shalt  }
0x52: {  	_ =	shalt  }
0x53: {  	_ =	shalt  }
0x54: {  	_ =	shalt  }
0x55: {  	_ =	shalt  }
0x56: {  	_ =	shalt  }
0x57: {  	_ =	shalt  }
0x58: {  	_ =	shalt  }
0x59: {  	_ =	shalt  }
0x5a: {  	_ =	shalt  }
0x5b: {  	_ =	shalt  }
0x5c: {  	_ =	shalt  }
0x5d: {  	_ =	shalt  }
0x5e: {  	_ =	shalt  }
0x5f: {  	_ =	shalt  }
0x60: {  	_ =	shalt  }
0x61: {  	_ =	shalt  }
0x62: {  	_ =	shalt  }
0x63: {  	_ =	shalt  }
0x64: {  	_ =	shalt  }
0x65: {  	_ =	shalt  }
0x66: {  	_ =	shalt  }
0x67: {  	_ =	shalt  }
0x68: {  	_ =	shalt  }
0x69: {  	_ =	shalt  }
0x6a: {  	_ =	shalt  }
0x6b: {  	_ =	shalt  }
0x6c: {  	_ =	shalt  }
0x6d: {  	_ =	shalt  }
0x6e: {  	_ =	shalt  }
0x6f: {  	_ =	shalt  }
0x70: {  	_ =	shalt  }
0x71: {  	_ =	shalt  }
0x72: {  	_ =	shalt  }
0x73: {  	_ =	shalt  }
0x74: {  	_ =	shalt  }
0x75: {  	_ =	shalt  }
0x76: {  	_ =	shalt  }
0x77: {  	_ =	shalt  }
0x78: {  	_ =	shalt  }
0x79: {  	_ =	shalt  }
0x7a: {  	_ =	shalt  }
0x7b: {  	_ =	shalt  }
0x7c: {  	_ =	shalt  }
0x7d: {  	_ =	shalt  }
0x7e: {  	_ =	shalt  }
0x7f: {  	_ =	shalt  }
0x80: {  	_ =	shalt  }
0x81: {  	_ =	shalt  }
0x82: {  	_ =	shalt  }
0x83: {  	_ =	shalt  }
0x84: {  	_ =	shalt  }
0x85: {  	_ =	shalt  }
0x86: {  	_ =	shalt  }
0x87: {  	_ =	shalt  }
.Lfunc_end0:
.L_simem_size_0:
called_computation_lowered:
.L_overlay_start_0:
0x88: {  	s2 =	sld [smem:$0x3FD9]  }
0x89: {  	s3 =	sld [smem:$0x3FFE];
	_ =	sdelay $0x1  }
0x8a: {  	s1 =	srdreg.scid  }
0x8b: {  	s0 =	sand.u32 $0x1, s1  }
0x8c: {  	s17 =	sshll.u32 s0, $0xA;
	s2 =	sadd.s32 s3, s2  }
0x8d: {  	s2 =	sadd.s32 s2, s17  }
0x8e: {  	[smem:$0x3FC5] =	sst s2  }
0x8f: {  	_ = 	snop  }
0x90: {  	s2 =	sld [smem:$0x3FC9]  }
0x91: {  	s18 =	sld [smem:$0x3FC8]  }
0x92: {  	s4 =	sld [smem:$0x3FC7];
	(tm) =	ssettm $0x1  }
0x93: {  	s5 =	sld [smem:$0x3FFB];
	_ =	sdelay $0x3  }
0x94: {  	_ =	strace s5  }
0x95: {  	s5 =	sld [smem:$0x3FFC];
	_ =	sdelay $0x3  }
0x96: {  	_ =	strace s5  }
0x97: {  	s5 =	sld [smem:$0x3FFD];
	_ =	sdelay $0x3  }
0x98: {  	_ =	strace s5  }
0x99: {  	_ =	strace $0x8FFFFFFF  }
0x9a: {  	s19 =	sld [smem:$0x3FDB];
	_ =	sdelay $0x1  }
0x9b: {  	s6 =	simm.s32 $_scs_section_size  }
0x9c: {  	s7 =	simm.s32 $_size__tile_overlayer_lowered;
	s8 =	simm.s32 $_tile_overlayer_lowered  }
0x9d: {  	s22 =	simm.s32 $0x1BFF;
	s21 =	sshll.u32 s8, $0x1;
	s5 =	sadd.s32 s6, s19  }
0x9e: {  	s9 =	simm.s32 $0x0;
	s20 =	sshll.u32 s7, $0x1;
	s7 =	sadd.s32 s21, s5  }
0x9f: {  	[timem:s9], [sflag:s22] =	dma.local [hbm:s7], s20  }
0xa0: {  	_ =	swait.ge [sflag:s22], s20  }
0xa1: {  	s6 =	ssub.s32 $0x0, s20;
	[sflag:s22] =	ssyncset.done $0x0  }
0xa2: {  	[sflag:s22] =	ssyncadd.s32 s6;
	_ =	sdelay $0x1  }
0xa3: {  	s23 =	simm.s32 $0x1B8B  }
0xa4: {  	_ =	swait.ge [sflag:s23], $0x1  }
0xa5: {  	[sflag:s23] =	ssyncset.done $0x0  }
0xa6: {  	s25 =	simm.s32 $0x1B8E;
	s24 =	sld [smem:$0x3FFE];
	[sflag:s23] =	ssyncadd.s32 $0xFFFFFFFF  }
0xa7: {  	s26 =	simm.s32 $execute0_lowered;
	[smem:$0x3FD2] =	sst s25  }
0xa8: {  	s7 =	sshll.u32 s26, $0x1;
	_ =	strace $0x80000046;
	[dreg:$0x1] =	wrdreg $0xFFFFFFFF  }
0xa9: {  	s28 =	simm.s32 $_size_execute0_lowered;
	s5 =	sadd.s32 s5, s7;
	[dreg:$0x0] =	wrdreg $0x0  }
0xaa: {  	s7 =	sshll.u32 s28, $0x1;
	[dreg:$0x2] =	wrdreg s5  }
0xab: {  	[dreg:$0x3] =	wrdreg s7  }
0xac: {  	[dreg:$0x4] =	wrdreg $0xC0  }
0xad: {  	_ =	task [dreg:s9], $0x5FFFF  }
0xae: {  	[dreg:$0x1] =	wrdreg $0xFFFFFFFF  }
0xaf: {  	[dreg:$0x0] =	wrdreg $0x60  }
0xb0: {  	[dreg:$0x2] =	wrdreg s2  }
0xb1: {  	[dreg:$0x3] =	wrdreg s18  }
0xb2: {  	[dreg:$0x4] =	wrdreg s4  }
0xb3: {  	[dreg:$0x5] =	wrdreg s24  }
0xb4: {  	[dreg:$0x6] =	wrdreg $0x9  }
0xb5: {  	_ =	task.clear_ibuf [dreg:s9], $0x7FFFF;
	_ =	strace $0x90000046  }
0xb6: {  	s29 =	simm.s32 $0x9;
	_ =	strace $0x80000048  }
0xb7: {  	_ =	swait.ge [sflag:s29], $0x1  }
0xb8: {  	[sflag:s29] =	ssyncadd.s32 $0xFFFFFFFF  }
0xb9: {  	_ =	strace $0x90000048  }
0xba: {  	_ =	sfence  }
0xbb: {  	s30 =	sld [smem:$0x0];
	_ =	sdelay $0x2  }
0xbc: {  	s31 =	sshll.u32 s1, $0xD;
	s1 =	sshrl.u32 s1, $0x2  }
0xbd: {  	s3 =	sand.u32 $0x4000, s31;
	s1 =	sadd.s32 s1, s30  }
0xbe: {  	s0 =	sor.u32 s3, s0;
	s1 =	sshll.u32 s1, $0x11  }
0xbf: {  	s0 =	sor.u32 s1, s0  }
0xc0: {  	s0 =	sadd.s32 $0x8F2B, s0  }
0xc1: {  	[sflag:s0] =	ssyncadd.remote.s32 $0x1  }
0xc2: {  	_ =	sfence.sel $0xFFFF  }
0xc3: {  	[dreg:$0x0] =	wrdreg $0xFFFFFFFF;
	(pc) =	sbr.abs _section_cstart, $3  }
0xc4: {  	[dreg:$0x1] =	wrdreg $0xFFFFFFFF  }
0xc5: {  	_ =	task.clear_ibuf [dreg:s9], $0x2FFFF;
	_ =	strace $0x9FFFFFFF  }
0xc6: {  	(tm) =	ssettm $0x7FFFFFFF  }
0xc7: {  	_ =	shalt  }
tec
execute0_lowered:
.L_overlay_start_1:
0x0: {  	(tag) =	ssettag $0x1  }
0x1: {  	s3 =	rddreg [dreg:$0x1]  }
0x2: {  	s4 =	rddreg [dreg:$0x2]  }
0x3: {  	s6 =	rddreg [dreg:$0x3]  }
0x4: {  	s0 =	stileid.u32;
	s7 =	srdreg.scid;
	s5 =	simm.s32 $0x0  }
0x5: {  	s16 =	simm.s32 $0x3;
	s17 =	simm.s32 $0x19700;
	s18 =	simm.s32 $0x1AF00  }
0x6: {  	s19 =	simm.s32 $0x1;
	s20 =	simm.s32 $0x2;
	s22 =	simm.s32 $0x4  }
0x7: {  	s23 =	simm.s32 $0x0;
	s8 =	sshll.u32 s0, $0x4;
	s7 =	sand.u32 $0x1, s7  }
0x8: {  	[smem:$0x7FF] =	sst s5;
	s8 =	sand.u32 $0x70, s8;
	s9 =	sshll.u32 s7, $0x4  }
0x9: {  	_ =	strace $0x80000047;
	s28 =	ssub.s32 $0x2, s7;
	s12 =	sadd.s32 s8, s6  }
0xa: {  	s10 =	sor.u32 s0, s9;
	s6 =	simm.s32 $0x62;
	s11 =	sshrl.u32 s28, $0x1  }
0xb: {  	s26 =	smul.u32 $0x61, s10;
	p0 =	slt.u32 s10, $0x15;
	s29 =	smin.u32 s10, $0x15  }
0xc: {  	s13 =	ssub.s32 s28, s11;
	s10 =	sshll.u32 s10, $0x4;
	s6 =	simm.s32 @!p0 $0x61  }
0xd: {  	s15 =	sand.u32 $0x180, s10;
	s13 =	smax.u32 s13, $0x1;
	s7 =	sadd.s32 s29, s26  }
0xe: {  	s8 =	sadd.s32 $0xFFFFFFFF, s6;
	s12 =	sadd.s32 s15, s12;
	s30 =	sshll.u32 s7, $0x9  }
0xf: {  	s9 =	sadd.s32 s7, s8;
	s14 =	sshll.u32 s7, $0x8;
	s31 =	sadd.s32 s3, s30  }
0x10: {  	s12 =	sadd.s32 $0x400, s12;
	s11 =	sadd.s32 s4, s14;
	[dreg:$0x5] =	wrdreg s31  }
.LBB2_1:
0x11: {  	s0 =	rddreg [dreg:$0x0]  }
0x12: {  	[tilespmem:s5], [sflag:$0x3] =	stream.linear.gather [hbm4b:s0+s5], $0x18700, $0x38;
	[tilespmem:$0x1B780] =	vst v63  }
0x13: {  	s30 =	rddreg [dreg:$0x5];
	s1 =	simm.s32 $0x18700  }
0x14: {  	[tilespmem:s1], [sflag:$0x1] =	stream.linear.gather [hbm4b:s30+s5], $0x1000, $0x38;
	[tilespmem:$0x1B780] =	vst v63  }
0x15: {  	s31 =	simm.s32 $0x1A700  }
0x16: {  	[tilespmem:s31], [sflag:$0x1] =	stream.linear.gather [hbm4b:s11+s5], $0x800, $0x38;
	[tilespmem:$0x1B780] =	vst v63  }
0x17: {  	_ =	swait.ge [sflag:s16], $0x18700  }
0x18: {  	[sflag:s16] =	ssyncset.done $0x0  }
0x19: {  	v0 =	vimm.f32 $0.0e+00;
	s24 =	simm.s32 $0x0;
	[sflag:s16] =	ssyncadd.s32 $0xFFFE7900  }
.LBB2_2:
0x1a: {  	s25 =	sshll.u32 s24, $0x1  }
0x1b: {  	s26 =	sadd.s32 s7, s25  }
0x1c: {  	s28 =	sadd.s32 $0x1, s26  }
0x1d: {  	s28 =	smin.u32 s28, s9  }
0x1e: {  	s29 =	sshll.u32 s28, $0x9  }
0x1f: {  	s30 =	simm.s32 $0x0;
	s28 =	sshll.u32 s28, $0x8;
	s29 =	sadd.s32 s3, s29  }
0x20: {  	[tilespmem:s17], [sflag:$0x2] =	stream.linear.gather [hbm4b:s29+s30], $0x1000, $0x38;
	[tilespmem:$0x1B780] =	vst v63  }
0x21: {  	s28 =	sadd.s32 s4, s28  }
0x22: {  	[tilespmem:s18], [sflag:$0x2] =	stream.linear.gather [hbm4b:s28+s30], $0x800, $0x38;
	[tilespmem:$0x1B780] =	vst v63  }
0x23: {  	_ =	swait.ge [sflag:s19], $0x1000  }
0x24: {  	[sflag:s19] =	ssyncset.done $0x0  }
0x25: {  	[sflag:s19] =	ssyncadd.s32 $0xFFFFF000  }
0x26: {  	s31 =	sand.u32 $0x780, s30;
	s29 =	sand.u32 $0x40, s30;
	_ =	swait.ge [sflag:s19], $0x800  }
0x27: {  	s31 =	sadd.s32 $0x1A700, s31;
	s0 =	sor.u32 $0x10, s29;
	[sflag:s19] =	ssyncset.done $0x0  }
0x28: {  	s28 =	simm.s32 $0x1A700;
	s30 =	sand.u32 $0xF00, s30;
	[sflag:s19] =	ssyncadd.s32 $0xFFFFF800  }
0x29: {  	v9 =	vld [tilespmem:s28+$0x0];
	s28 =	sadd.s32 $0x18700, s30;
	s30 =	sor.u32 s0, s31  }
0x2a: {  	s2 =	sor.u32 $0x20, s29;
	s0 =	sor.u32 s0, s28;
	v12 =	vld [tilespmem:s30+$0x0]  }
0x2b: {  	s14 =	sor.u32 s2, s28;
	v1 =	vld [tilespmem:s0+$0x0]  }
0x2c: {  	v2 =	vld [tilespmem:s14+$0x80]  }
0x2d: {  	v3 =	vld [tilespmem:s0+$0x80]  }
0x2e: {  	s30 =	sor.u32 $0x30, s29;
	s2 =	sor.u32 s2, s31;
	v4 =	vld [tilespmem:s14+$0x0]  }
0x2f: {  	s1 =	sor.u32 s30, s31;
	v7 =	vld [tilespmem:s2+$0x0]  }
0x30: {  	s10 =	sor.u32 s30, s28;
	v11 =	vld [tilespmem:s1+$0x0]  }
0x31: {  	s15 =	simm.s32 $0x40;
	s14 =	simm.s32 $0x80;
	v8 =	vld [tilespmem:s10+$0x0]  }
0x32: {  	s1 =	sor.u32 s29, s28;
	v10 =	vld [tilespmem:s10+$0x80];
	s10 =	sand.u32 $0x40, s15;
	s0 =	sand.u32 $0xF00, s14  }
0x33: {  	v5 =	vld [tilespmem:s1+$0x80];
	s0 =	sadd.s32 $0x18700, s0;
	s29 =	sor.u32 $0x20, s10  }
0x34: {  	v6 =	vld [tilespmem:s1+$0x0];
	s31 =	sor.u32 s29, s0  }
0x35: {  	s1 =	sand.u32 $0x780, s15;
	v16 =	vld [tilespmem:s31+$0x80]  }
0x36: {  	s28 =	sor.u32 $0x10, s10;
	s1 =	sadd.s32 $0x1A700, s1;
	s14 =	sor.u32 s10, s0;
	v19 =	vld [tilespmem:s31+$0x0]  }
0x37: {  	s15 =	sor.u32 s28, s1;
	s28 =	sor.u32 s28, s0;
	v20 =	vld [tilespmem:s14+$0x0]  }
0x38: {  	v15 =	vld [tilespmem:s28+$0x0]  }
0x39: {  	v17 =	vld [tilespmem:s28+$0x80]  }
0x3a: {  	v13 =	vld.idx.msk [tilespmem:v1+s5+$0x0], $0xffff  }
0x3b: {  	v3 =	vld.idx.msk [tilespmem:v3+s5+$0x0], $0xffff  }
0x3c: {  	v14 =	vld.idx.msk [tilespmem:v2+s5+$0x0], $0xffff  }
0x3d: {  	v10 =	vld.idx.msk [tilespmem:v10+s5+$0x0], $0xffff  }
0x3e: {  	v2 =	vld.idx.msk [tilespmem:v5+s5+$0x0], $0xffff  }
0x3f: {  	v5 =	vld.idx.msk [tilespmem:v6+s5+$0x0], $0xffff  }
0x40: {  	v6 =	vld.idx.msk [tilespmem:v8+s5+$0x0], $0xffff;
	v13 =	vsub.bf16 v13, v3  }
0x41: {  	s21 =	simm.s32 $0x1A740;
	v4 =	vld.idx.msk [tilespmem:v4+s5+$0x0], $0xffff  }
0x42: {  	v1 =	vld [tilespmem:s21+$0x0];
	s21 =	sor.u32 $0x30, s10;
	v13 =	vmul.bf16 v13, v13  }
0x43: {  	s0 =	sor.u32 s21, s0;
	v8 =	vld [tilespmem:s15+$0x0]  }
0x44: {  	(erf) = vrcp.f32 v9;
	v21 =	vld [tilespmem:s0+$0x0];
	v18 =	vunpack.i.u.bf16.f32 v13;
	v13 =	vunpack.i.l.bf16.f32 v13  }
0x45: {  	(erf) = vrcp.f32 v12;
	v23 =	vld [tilespmem:s0+$0x80];
	v6 =	vsub.bf16 v6, v10;
	v13 =	vadd.f32 v13, v18  }
0x46: {  	(erf) = vrcp.f32 v11;
	v5 =	vsub.bf16 v5, v2;
	v18 =	vld [tilespmem:s14+$0x80]  }
0x47: {  	(erf) = vrcp.f32 v7;
	v26 =	vld.idx.msk [tilespmem:v16+s5+$0x0], $0xffff;
	v6 =	vmul.bf16 v6, v6;
	v10 =	vshra.s32 v13, $0x1  }
0x48: {  	s30 =	sor.u32 s21, s1;
	v19 =	vld.idx.msk [tilespmem:v19+s5+$0x0], $0xffff;
	v4 =	vsub.bf16 v4, v14;
	v5 =	vmul.bf16 v5, v5;
	v14 =	vsub.s32 $0x5F376908, v10  }
0x49: {  	v3 =	vld [tilespmem:s30+$0x0];
	v10 =	vunpack.i.u.bf16.f32 v6;
	v6 =	vunpack.i.l.bf16.f32 v6;
	v22 =	vmul.f32 v14, v14  }
0x4a: {  	(erf) = vrcp.f32 v1;
	v4 =	vmul.bf16 v4, v4;
	v25 =	vadd.f32 v6, v10;
	v6 =	vld.idx.msk [tilespmem:v15+s5+$0x0], $0xffff  }
0x4b: {  	s1 =	sor.u32 s29, s1;
	v24 =	vunpack.i.u.bf16.f32 v5;
	v5 =	vunpack.i.l.bf16.f32 v5;
	v15 =	vld.idx.msk [tilespmem:v17+s5+$0x0], $0xffff;
	v10 =	vmul.f32 v22, v13  }
0x4c: {  	v2 =	vld [tilespmem:s1+$0x0];
	(erf) = vrcp.f32 v8;
	v24 =	vadd.f32 v5, v24;
	v17 =	vshra.s32 v25, $0x1  }
0x4d: {  	v5 =	vld.idx.msk [tilespmem:v20+s5+$0x0], $0xffff;
	v22 =	vunpack.i.u.bf16.f32 v4;
	v4 =	vunpack.i.l.bf16.f32 v4;
	v16 =	vmul.f32 $5.016667250e-01, v10  }
0x4e: {  	s2 =	simm.s32 $0x100;
	s10 =	simm.s32 $0x80;
	v19 =	vsub.bf16 v19, v26;
	v17 =	vsub.s32 $0x5F376908, v17;
	v10 =	vadd.f32 v4, v22;
	v18 =	vld.idx.msk [tilespmem:v18+s5+$0x0], $0xffff  }
0x4f: {  	s15 =	sand.u32 $0x40, s10;
	s0 =	sand.u32 $0xF00, s2;
	(erf) = vrcp.f32 v3;
	v4 =	vmul.f32 v17, v17;
	v20 =	vsub.f32 $1.502650020e+00, v16  }
0x50: {  	s21 =	sor.u32 $0x10, s15;
	s0 =	sadd.s32 $0x18700, s0;
	v6 =	vsub.bf16 v6, v15;
	v15 =	vld.idx.msk [tilespmem:v21+s5+$0x0], $0xffff;
	v21 =	vshra.s32 v24, $0x1;
	v16 =	vshra.s32 v10, $0x1  }
0x51: {  	s2 =	sor.u32 s21, s0;
	v4 =	vmul.f32 v4, v25;
	v16 =	vsub.s32 $0x5F376908, v16;
	v14 =	vmul.f32 v14, v20;
	v20 =	vld.idx.msk [tilespmem:v23+s5+$0x0], $0xffff  }
0x52: {  	s1 =	sand.u32 $0x780, s10;
	v26 =	vld [tilespmem:s2+$0x80];
	(erf) = vrcp.f32 v2;
	v27 =	vsub.s32 $0x5F376908, v21;
	v22 =	vmul.f32 v16, v16  }
0x53: {  	s28 =	sadd.s32 $0x1A700, s1;
	v21 =	vmul.bf16 v6, v6;
	v23 =	vmul.f32 $5.016667250e-01, v4;
	v5 =	vsub.bf16 v5, v18  }
0x54: {  	s1 =	sor.u32 s21, s28;
	v28 =	vmul.f32 v22, v10;
	v13 =	vmul.f32 v14, v13  }
0x55: {  	s14 =	simm.s32 $0x1A780;
	v6 =	vld [tilespmem:s1+$0x0];
	v14 =	vunpack.i.u.bf16.f32 v21;
	v22 =	vmul.bf16 v5, v5;
	v5 =	vunpack.i.l.bf16.f32 v21  }
0x56: {  	v4 =	vld [tilespmem:s14+$0x0];
	v29 =	vadd.f32 v5, v14;
	v14 =	vmul.f32 v27, v27;
	v15 =	vsub.bf16 v15, v20  }
0x57: {  	s10 =	sor.u32 $0x30, s15;
	v18 =	vsub.f32 $1.502650020e+00, v23;
	v23 =	vld [tilespmem:s2+$0x0];
	v20 =	vunpack.i.u.bf16.f32 v22;
	v21 =	vunpack.i.l.bf16.f32 v22  }
0x58: {  	s29 =	sor.u32 s10, s28;
	v22 =	vshra.s32 v29, $0x1;
	v30 =	vmul.f32 v14, v24;
	v15 =	vmul.bf16 v15, v15  }
0x59: {  	v5 =	vld [tilespmem:s29+$0x0];
	s29 =	sor.u32 $0x20, s15;
	v17 =	vmul.f32 v17, v18;
	v14 =	vadd.f32 v21, v20;
	v33 =	vsub.s32 $0x5F376908, v22  }
0x5a: {  	v26 =	vld.idx.msk [tilespmem:v26+s5+$0x0], $0xffff;
	s30 =	sor.u32 s29, s0;
	v22 =	vmul.f32 $5.016667250e-01, v30;
	v20 =	vunpack.i.u.bf16.f32 v15;
	v15 =	vunpack.i.l.bf16.f32 v15  }
0x5b: {  	s15 =	sor.u32 s15, s0;
	(erf) = vrcp.f32 v4;
	v31 =	vld [tilespmem:s30+$0x80];
	v21 =	vadd.f32 v15, v20;
	v15 =	vmul.f32 v33, v33  }
0x5c: {  	v19 =	vmul.bf16 v19, v19;
	v36 =	vld [tilespmem:s15+$0x0];
	(erf) = vrcp.f32 v6;
	v20 =	vsub.f32 $1.502650020e+00, v22  }
0x5d: {  	v12 =	vsub.f32 v13, v12;
	v13 =	vmul.f32 v17, v25;
	v30 =	vld [tilespmem:s15+$0x80];
	v15 =	vmul.f32 v15, v29  }
0x5e: {  	v35 =	vld [tilespmem:s30+$0x0];
	v17 =	vunpack.i.u.bf16.f32 v19;
	v19 =	vunpack.i.l.bf16.f32 v19;
	v20 =	vmul.f32 v27, v20  }
0x5f: {  	v37 =	vpop (erf);
	s0 =	sor.u32 s10, s0;
	v13 =	vsub.f32 v13, v11;
	(erf) = vrcp.f32 v5;
	v23 =	vld.idx.msk [tilespmem:v23+s5+$0x0], $0xffff;
	v15 =	vmul.f32 $5.016667250e-01, v15  }
0x60: {  	v40 =	vld [tilespmem:s0+$0x0];
	v25 =	vpop (erf);
	v22 =	vadd.f32 v19, v17;
	v18 =	vshra.s32 v21, $0x1;
	v17 =	vmul.f32 v20, v24  }
0x61: {  	s21 =	sor.u32 s29, s28;
	v41 =	vld [tilespmem:s0+$0x80];
	v42 =	vmul.f32 v12, v25;
	v25 =	vmul.f32 $5.016667250e-01, v28;
	v27 =	vpop (erf);
	v18 =	vsub.s32 $0x5F376908, v18  }
0x62: {  	v11 =	vld [tilespmem:s21+$0x0];
	v12 =	vshra.s32 v22, $0x1;
	v13 =	vmul.f32 v13, v27;
	v19 =	vmul.f32 v18, v18;
	v20 =	vpop (erf)  }
0x63: {  	v32 =	vld.idx.msk [tilespmem:v31+s5+$0x0], $0xffff;
	v31 =	vshra.s32 v14, $0x1;
	v24 =	vsub.f32 $1.502650020e+00, v15;
	v9 =	vsub.f32 v17, v9;
	v15 =	vpop (erf)  }
0x64: {  	v38 =	vld.idx.msk [tilespmem:v36+s5+$0x0], $0xffff;
	v23 =	vsub.bf16 v23, v26;
	v26 =	vsub.s32 $0x5F376908, v31;
	v31 =	vmul.f32 v42, v42;
	v17 =	vpop (erf)  }
0x65: {  	v27 =	vsub.s32 $0x5F376908, v12;
	v28 =	vmul.f32 v19, v21;
	v34 =	vld.idx.msk [tilespmem:v30+s5+$0x0], $0xffff;
	v19 =	vmul.f32 v13, v13;
	v12 =	vpop (erf)  }
0x66: {  	v36 =	vld.idx.msk [tilespmem:v35+s5+$0x0], $0xffff;
	v30 =	vmul.f32 v27, v27;
	v37 =	vmul.f32 v9, v37;
	v13 =	vpop (erf)  }
0x67: {  	v43 =	vmul.f32 v33, v24;
	v44 =	vmul.f32 $5.016667250e-01, v28;
	v9 =	vpop (erf)  }
0x68: {  	s31 =	simm.s32 $0x1A7C0;
	v39 =	vsub.f32 $1.502650020e+00, v25;
	v24 =	vmul.f32 v30, v22;
	v33 =	vld.idx.msk [tilespmem:v40+s5+$0x0], $0xffff;
	v40 =	vmul.bf16 v23, v23;
	v25 =	vpop (erf)  }
0x69: {  	s28 =	simm.s32 $0x8;
	s29 =	simm.s32 $0x180;
	s30 =	simm.s32 $0xC0;
	v35 =	vld.idx.msk [tilespmem:v41+s5+$0x0], $0xffff;
	v30 =	vimm.f32 $0.0e+00;
	v28 =	vmul.f32 v43, v29;
	v29 =	vsub.f32 $1.502650020e+00, v44;
	v23 =	vpop (erf)  }
.LBB2_3:
0x6a: {  	s0 =	sand.u32 $0x40, s30;
	s1 =	sand.u32 $0xF00, s29;
	v41 =	vld [tilespmem:s31+$0x0];
	s2 =	sand.u32 $0x780, s30;
	v34 =	vsub.bf16 v38, v34;
	(erf) = vrcp.f32 v11;
	v42 =	vmul.f32 v16, v39;
	v38 =	vmovc v17;
	v17 =	vmovc v25  }
0x6b: {  	v32 =	vsub.bf16 v36, v32;
	v36 =	vmul.f32 v37, v37;
	v37 =	vmovc v12;
	v12 =	vmovc v23;
	s1 =	sadd.s32 $0x18700, s1;
	s14 =	sor.u32 $0x10, s0;
	s2 =	sadd.s32 $0x1A700, s2;
	v25 =	vunpack.i.u.bf16.f32 v40  }
0x6c: {  	v16 =	vmovc v27;
	s15 =	sor.u32 s0, s1;
	s21 =	sor.u32 s14, s1;
	s14 =	sor.u32 s14, s2;
	v23 =	vmul.bf16 v34, v34;
	v34 =	vunpack.i.l.bf16.f32 v40;
	v39 =	vmul.f32 v42, v10;
	v10 =	vmovc v22  }
0x6d: {  	s28 =	sadd.s32 $0x4, s28;
	v27 =	vadd.f32 v36, v30;
	v22 =	vld [tilespmem:s14+$0x0];
	s14 =	sor.u32 $0x20, s0;
	s0 =	sor.u32 $0x30, s0;
	v42 =	vadd.f32 v34, v25;
	v25 =	vmul.f32 v26, v26  }
0x6e: {  	v33 =	vsub.bf16 v33, v35;
	v34 =	vld [tilespmem:s21+$0x0];
	s10 =	sor.u32 s14, s1;
	s1 =	sor.u32 s0, s1;
	s0 =	sor.u32 s0, s2;
	v30 =	vunpack.i.u.bf16.f32 v23;
	v35 =	vsub.f32 v39, v7;
	v7 =	vmovc v2;
	v2 =	vmovc v11  }
0x6f: {  	p0 =	slt.u32 s28, $0x7C;
	s2 =	sor.u32 s14, s2;
	v11 =	vunpack.i.l.bf16.f32 v23;
	v40 =	vld [tilespmem:s0+$0x0];
	(erf) = vrcp.f32 v41;
	v23 =	vshra.s32 v42, $0x1  }
0x70: {  	v43 =	vadd.f32 v11, v30;
	v11 =	vmul.bf16 v33, v33;
	v36 =	vld [tilespmem:s10+$0x80];
	v30 =	vmul.f32 v35, v20;
	v20 =	vmovc v13  }
0x71: {  	v35 =	vsub.s32 $0x5F376908, v23;
	v23 =	vmul.f32 v25, v14;
	v25 =	vadd.f32 v31, v27;
	v33 =	vld [tilespmem:s21+$0x80]  }
0x72: {  	v31 =	vunpack.i.u.bf16.f32 v11;
	v27 =	vld [tilespmem:s10+$0x0];
	(erf) = vrcp.f32 v22;
	v30 =	vmul.f32 v30, v30  }
0x73: {  	v44 =	vshra.s32 v43, $0x1;
	v11 =	vunpack.i.l.bf16.f32 v11;
	v23 =	vmul.f32 $5.016667250e-01, v23;
	v39 =	vld [tilespmem:s15+$0x80];
	v13 =	vpop (erf)  }
0x74: {  	v46 =	vadd.f32 v11, v31;
	v45 =	vld [tilespmem:s15+$0x0];
	(erf) = vrcp.f32 v40;
	v25 =	vadd.f32 v30, v25  }
0x75: {  	v18 =	vmul.f32 v18, v29;
	v31 =	vmul.f32 v35, v35;
	v23 =	vsub.f32 $1.502650020e+00, v23;
	v11 =	vld [tilespmem:s2+$0x0]  }
0x76: {  	v32 =	vmul.bf16 v32, v32;
	v47 =	vshra.s32 v46, $0x1;
	v29 =	vld [tilespmem:s1+$0x0];
	v30 =	vadd.f32 v19, v25  }
0x77: {  	v28 =	vsub.f32 v28, v8;
	v19 =	vmul.f32 v31, v42;
	v48 =	vld.idx.msk [tilespmem:v34+s5+$0x0], $0xffff;
	v34 =	vmul.f32 v18, v21  }
0x78: {  	v25 =	vunpack.i.u.bf16.f32 v32;
	v23 =	vmul.f32 v26, v23;
	v18 =	vsub.s32 $0x5F376908, v47;
	v21 =	vld [tilespmem:s1+$0x80];
	v49 =	vpop (erf)  }
0x79: {  	v8 =	vmovc v6;
	v6 =	vmovc v22;
	v31 =	vunpack.i.l.bf16.f32 v32;
	v19 =	vmul.f32 $5.016667250e-01, v19;
	v26 =	vld.idx.msk [tilespmem:v33+s5+$0x0], $0xffff;
	v3 =	vsub.f32 v34, v3  }
0x7a: {  	v22 =	vadd.f32 v31, v25;
	v31 =	vmul.f32 v18, v18;
	v14 =	vmul.f32 v23, v14;
	v32 =	vld.idx.msk [tilespmem:v36+s5+$0x0], $0xffff  }
0x7b: {  	v28 =	vmul.f32 v28, v38;
	v47 =	vsub.f32 $1.502650020e+00, v19;
	v34 =	vld.idx.msk [tilespmem:v39+s5+$0x0], $0xffff;
	v25 =	vpop (erf);
	v33 =	vmul.f32 v3, v37  }
0x7c: {  	v24 =	vmul.f32 $5.016667250e-01, v24;
	v19 =	vshra.s32 v22, $0x1;
	v50 =	vsub.f32 v14, v1;
	v1 =	vmovc v4;
	v4 =	vmovc v41;
	v38 =	vld.idx.msk [tilespmem:v45+s5+$0x0], $0xffff  }
.Ltmp0:
0x7d: {  	v31 =	vmul.f32 v31, v46;
	v36 =	vld.idx.msk [tilespmem:v27+s5+$0x0], $0xffff;
	v23 =	vpop (erf);
	v27 =	vsub.s32 $0x5F376908, v19;
	v19 =	vmul.f32 v33, v33;
	(pc) =	sbr.rel @p0 .LBB2_3-.Ltmp0, $4  }
0x7e: {  	v39 =	vsub.f32 $1.502650020e+00, v24;
	v37 =	vmul.f32 v50, v15;
	v3 =	vmovc v5;
	v5 =	vmovc v40;
	v41 =	vmul.f32 v27, v27  }
0x7f: {  	v45 =	vmul.f32 $5.016667250e-01, v31;
	v14 =	vmovc v43;
	v48 =	vsub.bf16 v48, v26;
	v33 =	vld.idx.msk [tilespmem:v29+s5+$0x0], $0xffff;
	v29 =	vmul.f32 v35, v47  }
0x80: {  	v31 =	vmul.f32 v28, v28;
	v26 =	vsub.s32 $0x5F376908, v44;
	v35 =	vld.idx.msk [tilespmem:v21+s5+$0x0], $0xffff;
	v24 =	vmul.f32 v41, v22;
	v21 =	vmovc v46  }
0x81: {  	s29 =	sadd.s32 $0x80, s29;
	s30 =	sadd.s32 $0x40, s30;
	s31 =	sadd.s32 $0x40, s31;
	v15 =	vmovc v9;
	v9 =	vmovc v49;
	v40 =	vmul.bf16 v48, v48;
	v28 =	vmul.f32 v29, v42;
	v29 =	vsub.f32 $1.502650020e+00, v45  }
0x82: {  	(erf) = vrcp.f32 v11  }
0x83: {  	v34 =	vsub.bf16 v38, v34;
	v16 =	vmul.f32 v16, v39;
	v32 =	vsub.bf16 v36, v32  }
0x84: {  	v47 =	vmul.f32 v37, v37;
	v24 =	vmul.f32 $5.016667250e-01, v24;
	v46 =	vunpack.i.u.bf16.f32 v40  }
0x85: {  	v48 =	vunpack.i.l.bf16.f32 v40;
	v18 =	vmul.f32 v18, v29;
	v8 =	vsub.f32 v28, v8  }
0x86: {  	p0 =	seq.s32 s24, $0x30;
	v34 =	vmul.bf16 v34, v34;
	v10 =	vmul.f32 v16, v10;
	v37 =	vadd.f32 v48, v46  }
0x87: {  	s0 =	sadd.s32 @!p0 $0x2, s26;
	v16 =	vmul.f32 v26, v26;
	v30 =	vadd.f32 v47, v30;
	v29 =	vmul.bf16 v32, v32  }
0x88: {  	s0 =	smin.u32 @!p0 s0, s9;
	v33 =	vsub.bf16 v33, v35;
	v18 =	vmul.f32 v18, v21;
	v8 =	vmul.f32 v8, v17  }
0x89: {  	s2 =	simm.s32 @!p0 $0x0;
	s1 =	sshll.u32 @!p0 s0, $0x9;
	v17 =	vsub.f32 $1.502650020e+00, v24;
	v49 =	vunpack.i.u.bf16.f32 v34;
	v7 =	vsub.f32 v10, v7  }
0x8a: {  	s10 =	simm.s32 @!p0 $0x18700;
	s0 =	sshll.u32 @!p0 s0, $0x8;
	s1 =	sadd.s32 @!p0 s3, s1;
	v10 =	vunpack.i.l.bf16.f32 v34;
	v50 =	vshra.s32 v37, $0x1;
	v16 =	vmul.f32 v16, v14  }
0x8b: {  	v30 =	vadd.f32 v31, v30;
	v21 =	vunpack.i.u.bf16.f32 v29;
	v29 =	vunpack.i.l.bf16.f32 v29;
	[tilespmem:s10], [sflag:$0x1] =	stream.linear.gather @!p0 [hbm4b:s1+s2], $0x1000, $0x38;
	[tilespmem:$0x1B780] =	vst v63  }
0x8c: {  	s0 =	sadd.s32 @!p0 s4, s0;
	v33 =	vmul.bf16 v33, v33;
	v10 =	vadd.f32 v10, v49;
	s1 =	simm.s32 @!p0 $0x1A700;
	v27 =	vmul.f32 v27, v17  }
0x8d: {  	v21 =	vadd.f32 v29, v21;
	v7 =	vmul.f32 v7, v20;
	v16 =	vmul.f32 $5.016667250e-01, v16;
	[tilespmem:s1], [sflag:$0x1] =	stream.linear.gather @!p0 [hbm4b:s0+s2], $0x800, $0x38;
	v51 =	vpop (erf);
	[tilespmem:$0x1B780] =	vst v63  }
0x8e: {  	v3 =	vsub.f32 v18, v3;
	v31 =	vunpack.i.u.bf16.f32 v33;
	v33 =	vunpack.i.l.bf16.f32 v33;
	_ =	swait.ge [sflag:s20], $0x1000  }
0x8f: {  	v7 =	vmul.f32 v7, v7;
	v31 =	vadd.f32 v33, v31;
	v16 =	vsub.f32 $1.502650020e+00, v16;
	[sflag:s20] =	ssyncset.done $0x0  }
0x90: {  	s14 =	simm.s32 $0x0;
	v8 =	vmul.f32 v8, v8;
	v20 =	vsub.s32 $0x5F376908, v50;
	v35 =	vshra.s32 v10, $0x1;
	[sflag:s20] =	ssyncadd.s32 $0xFFFFF000  }
0x91: {  	s15 =	simm.s32 $0x1AF00;
	s21 =	sand.u32 $0x780, s14;
	v7 =	vadd.f32 v7, v30;
	v30 =	vshra.s32 v31, $0x1;
	v16 =	vmul.f32 v26, v16;
	_ =	swait.ge [sflag:s20], $0x800  }
0x92: {  	s10 =	sadd.s32 $0x1AF00, s21;
	v52 =	vmul.f32 v20, v20;
	s2 =	sand.u32 $0x40, s14;
	v28 =	vsub.s32 $0x5F376908, v30;
	v30 =	vsub.s32 $0x5F376908, v35;
	[sflag:s20] =	ssyncset.done $0x0  }
0x93: {  	s0 =	sand.u32 $0xF00, s14;
	s14 =	sor.u32 $0x10, s2;
	v16 =	vmul.f32 v16, v14;
	v29 =	vmul.f32 v30, v30;
	[sflag:s20] =	ssyncadd.s32 $0xFFFFF800  }
0x94: {  	v24 =	vshra.s32 v21, $0x1;
	v3 =	vmul.f32 v3, v12;
	s0 =	sadd.s32 $0x19700, s0;
	v53 =	vmul.f32 v52, v37;
	s26 =	sor.u32 s14, s10;
	v14 =	vld [tilespmem:s15+$0x0]  }
0x95: {  	s1 =	sor.u32 $0x30, s2;
	v24 =	vsub.s32 $0x5F376908, v24;
	s14 =	sor.u32 s14, s0;
	v1 =	vsub.f32 v16, v1;
	v29 =	vmul.f32 v29, v10;
	v16 =	vld [tilespmem:s26+$0x0]  }
0x96: {  	s21 =	sor.u32 s1, s10;
	v18 =	vmul.f32 v24, v24;
	v26 =	vmul.f32 $5.016667250e-01, v53;
	v55 =	vld [tilespmem:s14+$0x0]  }
0x97: {  	v54 =	vmul.f32 v28, v28;
	s15 =	sor.u32 $0x20, s2;
	v29 =	vmul.f32 $5.016667250e-01, v29;
	v17 =	vld [tilespmem:s21+$0x0]  }
0x98: {  	v1 =	vmul.f32 v1, v15;
	v15 =	vmul.f32 v27, v22;
	v22 =	vld [tilespmem:s14+$0x80];
	s31 =	sor.u32 s15, s0  }
0x99: {  	v12 =	vmul.f32 v18, v21;
	v7 =	vadd.f32 v19, v7;
	v19 =	vld [tilespmem:s31+$0x80];
	v18 =	vsub.f32 $1.502650020e+00, v29  }
0x9a: {  	v32 =	vmul.f32 v54, v31;
	s2 =	sor.u32 s2, s0;
	v1 =	vmul.f32 v1, v1;
	v2 =	vsub.f32 v15, v2;
	v15 =	vld [tilespmem:s31+$0x0]  }
0x9b: {  	v26 =	vsub.f32 $1.502650020e+00, v26;
	v12 =	vmul.f32 $5.016667250e-01, v12;
	v29 =	vld [tilespmem:s2+$0x80];
	v18 =	vmul.f32 v30, v18  }
0x9c: {  	v27 =	vmul.f32 $5.016667250e-01, v32;
	s10 =	sor.u32 s15, s10;
	v7 =	vadd.f32 v1, v7;
	v2 =	vmul.f32 v2, v13;
	v13 =	vld [tilespmem:s2+$0x0]  }
0x9d: {  	v20 =	vmul.f32 v20, v26;
	v12 =	vsub.f32 $1.502650020e+00, v12;
	s0 =	sor.u32 s1, s0;
	v1 =	vld [tilespmem:s10+$0x0];
	v10 =	vmul.f32 v18, v10  }
0x9e: {  	v18 =	vsub.f32 $1.502650020e+00, v27;
	v7 =	vadd.f32 v8, v7;
	v2 =	vmul.f32 v2, v2;
	v8 =	vld [tilespmem:s0+$0x0]  }
0x9f: {  	v20 =	vmul.f32 v20, v37;
	v4 =	vsub.f32 v10, v4;
	v10 =	vmul.f32 v24, v12;
	v12 =	vld [tilespmem:s0+$0x80]  }
0xa0: {  	v3 =	vmul.f32 v3, v3;
	v2 =	vadd.f32 v2, v7;
	v7 =	vmul.f32 v28, v18;
	v18 =	vld.idx.msk [tilespmem:v55+s5+$0x0], $0xffff  }
0xa1: {  	v6 =	vsub.f32 v20, v6;
	v4 =	vmul.f32 v4, v9;
	v9 =	vmul.f32 v10, v21;
	v10 =	vld.idx.msk [tilespmem:v22+s5+$0x0], $0xffff  }
0xa2: {  	v2 =	vadd.f32 v3, v2;
	v3 =	vmul.f32 v7, v31;
	v7 =	vld.idx.msk [tilespmem:v19+s5+$0x0], $0xffff  }
0xa3: {  	v6 =	vmul.f32 v6, v25;
	v9 =	vsub.f32 v9, v11;
	v11 =	vld.idx.msk [tilespmem:v29+s5+$0x0], $0xffff  }
0xa4: {  	v4 =	vmul.f32 v4, v4;
	v13 =	vld.idx.msk [tilespmem:v13+s5+$0x0], $0xffff  }
0xa5: {  	s31 =	simm.s32 $0x80;
	s2 =	simm.s32 $0x40;
	v3 =	vsub.f32 v3, v5;
	v5 =	vmul.f32 v6, v6;
	v6 =	vld.idx.msk [tilespmem:v15+s5+$0x0], $0xffff  }
0xa6: {  	s10 =	sand.u32 $0x40, s2;
	s0 =	sand.u32 $0xF00, s31;
	v2 =	vadd.f32 v4, v2;
	v8 =	vld.idx.msk [tilespmem:v8+s5+$0x0], $0xffff  }
0xa7: {  	s14 =	simm.s32 $0x1AF40;
	s15 =	sor.u32 $0x10, s10;
	s0 =	sadd.s32 $0x19700, s0;
	v4 =	vmul.f32 v9, v51;
	v9 =	vld.idx.msk [tilespmem:v12+s5+$0x0], $0xffff  }
0xa8: {  	s1 =	sand.u32 $0x780, s2;
	v5 =	vadd.f32 v5, v2;
	v2 =	vld [tilespmem:s14+$0x0];
	s14 =	sor.u32 s15, s0  }
0xa9: {  	s1 =	sadd.s32 $0x1AF00, s1;
	v4 =	vmul.f32 v4, v4;
	v12 =	vld [tilespmem:s14+$0x0]  }
0xaa: {  	s21 =	sor.u32 s15, s1;
	v10 =	vsub.bf16 v18, v10;
	s15 =	sor.u32 $0x20, s10;
	v18 =	vld [tilespmem:s14+$0x80]  }
0xab: {  	v3 =	vmul.f32 v3, v23;
	s31 =	sor.u32 s15, s0;
	v5 =	vadd.f32 v4, v5;
	v4 =	vld [tilespmem:s21+$0x0]  }
0xac: {  	s2 =	sor.u32 $0x30, s10;
	v10 =	vmul.bf16 v10, v10;
	v15 =	vld [tilespmem:s31+$0x80]  }
0xad: {  	(erf) = vrcp.f32 v14;
	v3 =	vmul.f32 v3, v3;
	s10 =	sor.u32 s10, s0;
	s0 =	sor.u32 s2, s0;
	v20 =	vld [tilespmem:s31+$0x0]  }
0xae: {  	(erf) = vrcp.f32 v16;
	v21 =	vld [tilespmem:s0+$0x0];
	v19 =	vunpack.i.u.bf16.f32 v10  }
0xaf: {  	s26 =	sor.u32 s2, s1;
	v23 =	vld [tilespmem:s0+$0x80];
	v10 =	vunpack.i.l.bf16.f32 v10;
	v3 =	vadd.f32 v3, v5;
	v8 =	vsub.bf16 v8, v9  }
0xb0: {  	p6 =	slt.u32 s25, s6;
	(erf) = vrcp.f32 v17;
	v5 =	vld [tilespmem:s26+$0x0];
	v19 =	vadd.f32 v10, v19;
	v9 =	vsub.bf16 v13, v11  }
0xb1: {  	v6 =	vsub.bf16 v6, v7;
	v10 =	vld [tilespmem:s10+$0x80];
	v3 =	vpsel !p6, $0x0, v3;
	v8 =	vmul.bf16 v8, v8  }
0xb2: {  	s1 =	sor.u32 s15, s1;
	v11 =	vld [tilespmem:s10+$0x0];
	v13 =	vshra.s32 v19, $0x1;
	v0 =	vadd.f32 v3, v0;
	v7 =	vmul.bf16 v9, v9  }
0xb3: {  	v3 =	vld [tilespmem:s1+$0x0];
	v13 =	vsub.s32 $0x5F376908, v13;
	v9 =	vunpack.i.u.bf16.f32 v8;
	v8 =	vunpack.i.l.bf16.f32 v8  }
0xb4: {  	(erf) = vrcp.f32 v1;
	v22 =	vmul.f32 v13, v13;
	v25 =	vadd.f32 v8, v9;
	v8 =	vld.idx.msk [tilespmem:v12+s5+$0x0], $0xffff  }
0xb5: {  	v6 =	vmul.bf16 v6, v6;
	(erf) = vrcp.f32 v2;
	v12 =	vld.idx.msk [tilespmem:v18+s5+$0x0], $0xffff  }
0xb6: {  	(erf) = vrcp.f32 v4;
	v24 =	vunpack.i.u.bf16.f32 v7;
	v9 =	vmul.f32 v22, v19;
	v26 =	vld.idx.msk [tilespmem:v15+s5+$0x0], $0xffff  }
0xb7: {  	v7 =	vunpack.i.l.bf16.f32 v7;
	v22 =	vunpack.i.u.bf16.f32 v6;
	v6 =	vunpack.i.l.bf16.f32 v6;
	v20 =	vld.idx.msk [tilespmem:v20+s5+$0x0], $0xffff  }
0xb8: {  	v18 =	vshra.s32 v25, $0x1;
	v15 =	vmul.f32 $5.016667250e-01, v9;
	v9 =	vadd.f32 v6, v22  }
0xb9: {  	(erf) = vrcp.f32 v5;
	v27 =	vadd.f32 v7, v24;
	v22 =	vld.idx.msk [tilespmem:v10+s5+$0x0], $0xffff;
	v18 =	vsub.s32 $0x5F376908, v18  }
0xba: {  	(erf) = vrcp.f32 v3;
	v7 =	vld.idx.msk [tilespmem:v11+s5+$0x0], $0xffff;
	v6 =	vmul.f32 v18, v18;
	v10 =	vshra.s32 v9, $0x1  }
0xbb: {  	s14 =	simm.s32 $0x80;
	s21 =	simm.s32 $0x100;
	v11 =	vsub.f32 $1.502650020e+00, v15;
	v15 =	vimm.f32 $0.0e+00;
	v10 =	vsub.s32 $0x5F376908, v10  }
0xbc: {  	s2 =	sand.u32 $0x40, s14;
	s0 =	sand.u32 $0x780, s14;
	s1 =	sand.u32 $0xF00, s21;
	v8 =	vsub.bf16 v8, v12;
	v12 =	vld.idx.msk [tilespmem:v21+s5+$0x0], $0xffff;
	v20 =	vsub.bf16 v20, v26;
	v6 =	vmul.f32 v6, v25  }
0xbd: {  	s31 =	sor.u32 $0x10, s2;
	s26 =	sadd.s32 $0x1AF00, s0;
	s0 =	sadd.s32 $0x19700, s1;
	v21 =	vmul.f32 v10, v10;
	v11 =	vmul.f32 v13, v11;
	v13 =	vld.idx.msk [tilespmem:v23+s5+$0x0], $0xffff;
	v23 =	vshra.s32 v27, $0x1  }
0xbe: {  	s15 =	simm.s32 $0x1AF80;
	s14 =	sor.u32 $0x30, s2;
	s10 =	sor.u32 s31, s0;
	v8 =	vmul.bf16 v8, v8;
	v23 =	vsub.s32 $0x5F376908, v23;
	v24 =	vmul.f32 $5.016667250e-01, v6  }
0xbf: {  	v20 =	vmul.bf16 v20, v20;
	v6 =	vld [tilespmem:s15+$0x0];
	v7 =	vsub.bf16 v7, v22;
	v11 =	vmul.f32 v11, v19;
	s15 =	sor.u32 s31, s26;
	s31 =	sor.u32 $0x20, s2;
	s2 =	sor.u32 s2, s0  }
0xc0: {  	v28 =	vmul.f32 v21, v9;
	v21 =	vunpack.i.u.bf16.f32 v8;
	v59 =	vld [tilespmem:s2+$0x0];
	v19 =	vsub.f32 $1.502650020e+00, v24  }
0xc1: {  	v22 =	vmul.bf16 v7, v7;
	v7 =	vunpack.i.l.bf16.f32 v8;
	v8 =	vld [tilespmem:s15+$0x0];
	v11 =	vsub.f32 v11, v16  }
0xc2: {  	s21 =	sor.u32 s14, s26;
	v24 =	vld [tilespmem:s10+$0x0];
	v29 =	vadd.f32 v7, v21;
	v12 =	vsub.bf16 v12, v13;
	v13 =	vmul.f32 v23, v23  }
0xc3: {  	v7 =	vld [tilespmem:s21+$0x0];
	v21 =	vunpack.i.u.bf16.f32 v22;
	v22 =	vunpack.i.l.bf16.f32 v22;
	v18 =	vmul.f32 v18, v19  }
0xc4: {  	s21 =	sor.u32 s31, s0;
	v26 =	vshra.s32 v29, $0x1;
	v30 =	vmul.bf16 v12, v12;
	v12 =	vadd.f32 v22, v21;
	v22 =	vld [tilespmem:s10+$0x80]  }
0xc5: {  	v31 =	vld [tilespmem:s21+$0x80];
	(erf) = vrcp.f32 v6;
	v13 =	vmul.f32 v13, v27;
	v26 =	vsub.s32 $0x5F376908, v26  }
0xc6: {  	v60 =	vpop (erf);
	v56 =	vld [tilespmem:s21+$0x0];
	v16 =	vmul.f32 v18, v25;
	v21 =	vunpack.i.u.bf16.f32 v30;
	v30 =	vunpack.i.l.bf16.f32 v30  }
0xc7: {  	s0 =	sor.u32 s14, s0;
	v25 =	vpop (erf);
	(erf) = vrcp.f32 v8;
	v13 =	vmul.f32 $5.016667250e-01, v13;
	v21 =	vadd.f32 v30, v21;
	v30 =	vld [tilespmem:s2+$0x80]  }
0xc8: {  	v61 =	vld [tilespmem:s0+$0x0];
	v18 =	vunpack.i.u.bf16.f32 v20;
	v58 =	vmul.f32 v26, v26;
	v45 =	vmul.f32 v11, v25  }
0xc9: {  	v42 =	vld [tilespmem:s0+$0x80];
	v25 =	vmul.f32 $5.016667250e-01, v28;
	(erf) = vrcp.f32 v7;
	v13 =	vsub.f32 $1.502650020e+00, v13  }
0xca: {  	v16 =	vsub.f32 v16, v17;
	v32 =	vmul.f32 v58, v29;
	v41 =	vld.idx.msk [tilespmem:v24+s5+$0x0], $0xffff;
	v24 =	vunpack.i.l.bf16.f32 v20  }
0xcb: {  	v37 =	vld.idx.msk [tilespmem:v59+s5+$0x0], $0xffff;
	v19 =	vshra.s32 v21, $0x1;
	v13 =	vmul.f32 v23, v13;
	v23 =	vpop (erf);
	v24 =	vadd.f32 v24, v18  }
0xcc: {  	s31 =	sor.u32 s31, s26;
	v19 =	vsub.s32 $0x5F376908, v19;
	v32 =	vmul.f32 $5.016667250e-01, v32;
	v20 =	vpop (erf);
	v11 =	vmul.f32 v16, v23;
	v43 =	vld.idx.msk [tilespmem:v22+s5+$0x0], $0xffff  }
0xcd: {  	v22 =	vmul.f32 v19, v19;
	v27 =	vmul.f32 v13, v27;
	v18 =	vpop (erf);
	v13 =	vld [tilespmem:s31+$0x0];
	v16 =	vshra.s32 v24, $0x1  }
0xce: {  	v57 =	vshra.s32 v12, $0x1;
	v39 =	vsub.f32 $1.502650020e+00, v25;
	v44 =	vsub.f32 $1.502650020e+00, v32;
	v32 =	vld.idx.msk [tilespmem:v31+s5+$0x0], $0xffff;
	v17 =	vpop (erf)  }
0xcf: {  	v31 =	vmul.f32 v45, v45;
	v23 =	vsub.f32 v27, v14;
	v14 =	vpop (erf);
	v27 =	vmul.f32 v22, v21;
	v34 =	vld.idx.msk [tilespmem:v30+s5+$0x0], $0xffff  }
0xd0: {  	v36 =	vld.idx.msk [tilespmem:v56+s5+$0x0], $0xffff;
	v28 =	vsub.s32 $0x5F376908, v16;
	v22 =	vmul.f32 v11, v11;
	v62 =	vmul.f32 v26, v44;
	v16 =	vpop (erf)  }
0xd1: {  	v30 =	vmul.f32 v28, v28;
	v11 =	vpop (erf);
	v63 =	vmul.f32 $5.016667250e-01, v27;
	v41 =	vsub.bf16 v41, v43  }
0xd2: {  	s28 =	simm.s32 $0x180;
	v25 =	vsub.s32 $0x5F376908, v57;
	v33 =	vld.idx.msk [tilespmem:v61+s5+$0x0], $0xffff;
	v38 =	vmul.f32 v23, v60;
	v29 =	vmul.f32 v62, v29;
	v26 =	vpop (erf)  }
0xd3: {  	s29 =	simm.s32 $0xC0;
	s30 =	simm.s32 $0x1AFC0;
	s26 =	simm.s32 $0x8;
	v35 =	vld.idx.msk [tilespmem:v42+s5+$0x0], $0xffff;
	v23 =	vmul.f32 v30, v24;
	v27 =	vpop (erf);
	v30 =	vsub.f32 $1.502650020e+00, v63;
	v40 =	vmul.bf16 v41, v41  }
.LBB2_5:
0xd4: {  	s0 =	sand.u32 $0x40, s29;
	s1 =	sand.u32 $0xF00, s28;
	v41 =	vld [tilespmem:s30+$0x0];
	s2 =	sand.u32 $0x780, s29;
	v34 =	vsub.bf16 v37, v34;
	(erf) = vrcp.f32 v13;
	v42 =	vmul.f32 v10, v39;
	v37 =	vmovc v17;
	v17 =	vmovc v26  }
0xd5: {  	v32 =	vsub.bf16 v36, v32;
	v36 =	vmul.f32 v38, v38;
	v38 =	vmovc v14;
	v14 =	vmovc v27;
	s1 =	sadd.s32 $0x19700, s1;
	s10 =	sor.u32 $0x10, s0;
	s2 =	sadd.s32 $0x1AF00, s2;
	v26 =	vunpack.i.u.bf16.f32 v40  }
0xd6: {  	v10 =	vmovc v28;
	s14 =	sor.u32 s0, s1;
	s15 =	sor.u32 s10, s1;
	s10 =	sor.u32 s10, s2;
	v27 =	vmul.bf16 v34, v34;
	v34 =	vunpack.i.l.bf16.f32 v40;
	v39 =	vmul.f32 v42, v9;
	v9 =	vmovc v24  }
0xd7: {  	s26 =	sadd.s32 $0x4, s26;
	v15 =	vadd.f32 v36, v15;
	v24 =	vld [tilespmem:s10+$0x0];
	s10 =	sor.u32 $0x20, s0;
	s0 =	sor.u32 $0x30, s0;
	v42 =	vadd.f32 v34, v26;
	v26 =	vmul.f32 v25, v25  }
0xd8: {  	v33 =	vsub.bf16 v33, v35;
	v28 =	vld [tilespmem:s15+$0x0];
	s21 =	sor.u32 s10, s1;
	s1 =	sor.u32 s0, s1;
	s0 =	sor.u32 s0, s2;
	v34 =	vunpack.i.u.bf16.f32 v27;
	v35 =	vsub.f32 v39, v1;
	v1 =	vmovc v3;
	v3 =	vmovc v13  }
0xd9: {  	p0 =	slt.u32 s26, $0x7C;
	s2 =	sor.u32 s10, s2;
	v13 =	vunpack.i.l.bf16.f32 v27;
	v40 =	vld [tilespmem:s0+$0x0];
	(erf) = vrcp.f32 v41;
	v27 =	vshra.s32 v42, $0x1  }
0xda: {  	v43 =	vadd.f32 v13, v34;
	v13 =	vmul.bf16 v33, v33;
	v36 =	vld [tilespmem:s21+$0x80];
	v33 =	vmul.f32 v35, v20;
	v20 =	vmovc v16  }
0xdb: {  	v15 =	vadd.f32 v31, v15;
	v26 =	vmul.f32 v26, v12;
	v35 =	vsub.s32 $0x5F376908, v27;
	v34 =	vld [tilespmem:s15+$0x80]  }
0xdc: {  	v31 =	vunpack.i.u.bf16.f32 v13;
	v27 =	vld [tilespmem:s21+$0x0];
	(erf) = vrcp.f32 v24;
	v33 =	vmul.f32 v33, v33  }
0xdd: {  	v44 =	vshra.s32 v43, $0x1;
	v13 =	vunpack.i.l.bf16.f32 v13;
	v26 =	vmul.f32 $5.016667250e-01, v26;
	v39 =	vld [tilespmem:s14+$0x80];
	v16 =	vpop (erf)  }
0xde: {  	v46 =	vadd.f32 v13, v31;
	v45 =	vld [tilespmem:s14+$0x0];
	(erf) = vrcp.f32 v40;
	v15 =	vadd.f32 v33, v15  }
0xdf: {  	v19 =	vmul.f32 v19, v30;
	v31 =	vmul.f32 v35, v35;
	v26 =	vsub.f32 $1.502650020e+00, v26;
	v13 =	vld [tilespmem:s2+$0x0]  }
0xe0: {  	v32 =	vmul.bf16 v32, v32;
	v33 =	vshra.s32 v46, $0x1;
	v30 =	vld [tilespmem:s1+$0x0];
	v15 =	vadd.f32 v22, v15  }
0xe1: {  	v49 =	vmul.f32 v19, v21;
	v22 =	vmul.f32 v31, v42;
	v47 =	vld.idx.msk [tilespmem:v28+s5+$0x0], $0xffff;
	v28 =	vsub.f32 v29, v4  }
0xe2: {  	v19 =	vsub.s32 $0x5F376908, v33;
	v25 =	vmul.f32 v25, v26;
	v29 =	vunpack.i.u.bf16.f32 v32;
	v21 =	vld [tilespmem:s1+$0x80];
	v48 =	vpop (erf)  }
0xe3: {  	v5 =	vsub.f32 v49, v5;
	v33 =	vunpack.i.l.bf16.f32 v32;
	v4 =	vmovc v8;
	v8 =	vmovc v24;
	v22 =	vmul.f32 $5.016667250e-01, v22;
	v31 =	vld.idx.msk [tilespmem:v34+s5+$0x0], $0xffff  }
0xe4: {  	v12 =	vmul.f32 v25, v12;
	v24 =	vadd.f32 v33, v29;
	v29 =	vmul.f32 v19, v19;
	v32 =	vld.idx.msk [tilespmem:v36+s5+$0x0], $0xffff  }
0xe5: {  	v33 =	vmul.f32 v5, v38;
	v49 =	vmul.f32 v28, v37;
	v25 =	vsub.f32 $1.502650020e+00, v22;
	v34 =	vld.idx.msk [tilespmem:v39+s5+$0x0], $0xffff;
	v26 =	vpop (erf)  }
0xe6: {  	v23 =	vmul.f32 $5.016667250e-01, v23;
	v50 =	vsub.f32 v12, v2;
	v2 =	vmovc v6;
	v6 =	vmovc v41;
	v22 =	vshra.s32 v24, $0x1;
	v37 =	vld.idx.msk [tilespmem:v45+s5+$0x0], $0xffff  }
.Ltmp1:
0xe7: {  	v29 =	vmul.f32 v29, v46;
	v28 =	vsub.s32 $0x5F376908, v22;
	v22 =	vmul.f32 v33, v33;
	v36 =	vld.idx.msk [tilespmem:v27+s5+$0x0], $0xffff;
	v27 =	vpop (erf);
	(pc) =	sbr.rel @p0 .LBB2_5-.Ltmp1, $4  }
0xe8: {  	v5 =	vmovc v7;
	v7 =	vmovc v40;
	v38 =	vmul.f32 v50, v18;
	v39 =	vsub.f32 $1.502650020e+00, v23;
	v41 =	vmul.f32 v28, v28  }
0xe9: {  	v12 =	vmovc v43;
	v45 =	vmul.f32 $5.016667250e-01, v29;
	v47 =	vsub.bf16 v47, v31;
	v33 =	vld.idx.msk [tilespmem:v30+s5+$0x0], $0xffff;
	v30 =	vmul.f32 v35, v25  }
0xea: {  	v23 =	vmul.f32 v41, v24;
	v31 =	vmul.f32 v49, v49;
	v25 =	vsub.s32 $0x5F376908, v44;
	v35 =	vld.idx.msk [tilespmem:v21+s5+$0x0], $0xffff;
	v21 =	vmovc v46  }
0xeb: {  	s28 =	sadd.s32 $0x80, s28;
	s29 =	sadd.s32 $0x40, s29;
	s30 =	sadd.s32 $0x40, s30;
	v18 =	vmovc v11;
	v11 =	vmovc v48;
	v40 =	vmul.bf16 v47, v47;
	v29 =	vmul.f32 v30, v42;
	v30 =	vsub.f32 $1.502650020e+00, v45  }
0xec: {  	(erf) = vrcp.f32 v13  }
0xed: {  	v34 =	vsub.bf16 v37, v34;
	v10 =	vmul.f32 v10, v39;
	v54 =	vmul.f32 v38, v38  }
0xee: {  	v32 =	vsub.bf16 v36, v32;
	v56 =	vmul.f32 v25, v25;
	v23 =	vmul.f32 $5.016667250e-01, v23  }
0xef: {  	v53 =	vunpack.i.u.bf16.f32 v40;
	v55 =	vunpack.i.l.bf16.f32 v40;
	v36 =	vmul.f32 v19, v30  }
0xf0: {  	v4 =	vsub.f32 v29, v4;
	v34 =	vmul.bf16 v34, v34;
	v9 =	vmul.f32 v10, v9  }
0xf1: {  	v10 =	vadd.f32 v55, v53;
	v15 =	vadd.f32 v54, v15;
	v61 =	vmul.f32 v56, v12  }
0xf2: {  	v37 =	vmul.bf16 v32, v32;
	v48 =	vsub.f32 $1.502650020e+00, v23;
	v33 =	vsub.bf16 v33, v35  }
0xf3: {  	v4 =	vmul.f32 v4, v17;
	v57 =	vunpack.i.u.bf16.f32 v34;
	v1 =	vsub.f32 v9, v1  }
0xf4: {  	v58 =	vunpack.i.l.bf16.f32 v34;
	v59 =	vshra.s32 v10, $0x1;
	v15 =	vadd.f32 v31, v15  }
0xf5: {  	v34 =	vmul.f32 $5.016667250e-01, v61;
	v40 =	vunpack.i.u.bf16.f32 v37;
	v19 =	vunpack.i.l.bf16.f32 v37  }
0xf6: {  	v17 =	vmul.f32 v28, v48;
	v33 =	vmul.bf16 v33, v33;
	v9 =	vadd.f32 v58, v57  }
0xf7: {  	v60 =	vsub.s32 $0x5F376908, v59;
	v19 =	vadd.f32 v19, v40;
	v4 =	vmul.f32 v4, v4  }
0xf8: {  	v1 =	vmul.f32 v1, v20;
	v63 =	vmul.f32 v60, v60;
	v38 =	vsub.f32 $1.502650020e+00, v34  }
0xf9: {  	v17 =	vmul.f32 v17, v24;
	v62 =	vunpack.i.u.bf16.f32 v33;
	v35 =	vshra.s32 v9, $0x1  }
0xfa: {  	v33 =	vunpack.i.l.bf16.f32 v33;
	v49 =	vshra.s32 v19, $0x1;
	v1 =	vmul.f32 v1, v1  }
0xfb: {  	v31 =	vadd.f32 v33, v62;
	v42 =	vmul.f32 v25, v38;
	v44 =	vsub.s32 $0x5F376908, v35  }
0xfc: {  	v33 =	vmul.f32 v63, v10;
	v51 =	vsub.s32 $0x5F376908, v49;
	v46 =	vmul.f32 v44, v44  }
0xfd: {  	v53 =	vmul.f32 v51, v51;
	v1 =	vadd.f32 v1, v15;
	v45 =	vmul.f32 v42, v12  }
0xfe: {  	v39 =	vshra.s32 v31, $0x1;
	v15 =	vmul.f32 v36, v21;
	v50 =	vmul.f32 v46, v9  }
0xff: {  	v43 =	vmul.f32 $5.016667250e-01, v33;
	v41 =	vsub.s32 $0x5F376908, v39;
	v2 =	vsub.f32 v45, v2  }
0x100: {  	v47 =	vmul.f32 v41, v41;
	v5 =	vsub.f32 v15, v5;
	v12 =	vmul.f32 $5.016667250e-01, v50  }
0x101: {  	v3 =	vsub.f32 v17, v3;
	v54 =	vmul.f32 v53, v19;
	v2 =	vmul.f32 v2, v18  }
0x102: {  	v52 =	vmul.f32 v47, v31;
	v5 =	vmul.f32 v5, v14;
	v12 =	vsub.f32 $1.502650020e+00, v12  }
0x103: {  	v1 =	vadd.f32 v22, v1;
	v14 =	vmul.f32 $5.016667250e-01, v54;
	v2 =	vmul.f32 v2, v2  }
0x104: {  	v56 =	vsub.f32 $1.502650020e+00, v43;
	v55 =	vmul.f32 $5.016667250e-01, v52;
	v12 =	vmul.f32 v44, v12  }
0x105: {  	v57 =	vsub.f32 $1.502650020e+00, v14;
	v1 =	vadd.f32 v2, v1;
	v2 =	vmul.f32 v3, v16  }
0x106: {  	v3 =	vmul.f32 v60, v56;
	v58 =	vsub.f32 $1.502650020e+00, v55;
	v9 =	vmul.f32 v12, v9  }
0x107: {  	v60 =	vmul.f32 v51, v57;
	v1 =	vadd.f32 v4, v1;
	v2 =	vmul.f32 v2, v2  }
0x108: {  	v3 =	vmul.f32 v3, v10;
	v59 =	vsub.f32 v9, v6  }
0x109: {  	v6 =	vmul.f32 v60, v19;
	v1 =	vadd.f32 v2, v1;
	v2 =	vmul.f32 v41, v58  }
0x10a: {  	v5 =	vmul.f32 v5, v5;
	v3 =	vsub.f32 v3, v8;
	v4 =	vmul.f32 v59, v11  }
0x10b: {  	v61 =	vsub.f32 v6, v13;
	v2 =	vmul.f32 v2, v31  }
0x10c: {  	v62 =	vpop (erf);
	v1 =	vadd.f32 v5, v1;
	v3 =	vmul.f32 v3, v26;
	v4 =	vmul.f32 v4, v4  }
0x10d: {  	v63 =	vmul.f32 v61, v62  }
0x10e: {  	v2 =	vsub.f32 v2, v7;
	v3 =	vmul.f32 v3, v3;
	v1 =	vadd.f32 v4, v1;
	_ =	sdelay $0x1  }
0x10f: {  	v2 =	vmul.f32 v2, v27;
	v1 =	vadd.f32 v3, v1;
	v3 =	vmul.f32 v63, v63;
	_ =	sdelay $0x1  }
0x110: {  	v2 =	vmul.f32 v2, v2;
	v1 =	vadd.f32 v3, v1;
	_ =	sdelay $0x1  }
0x111: {  	v1 =	vadd.f32 v2, v1  }
0x112: {  	p0 =	slt.u32 s25, s8;
	s24 =	sadd.s32 $0x1, s24  }
0x113: {  	v1 =	vpsel !p0, $0x0, v1;
	p0 =	sne.s32 s24, $0x31  }
.Ltmp2:
0x114: {  	_ = 	snop;
	(pc) =	sbr.rel @p0 .LBB2_2-.Ltmp2, $2  }
0x115: {  	_ =	sdelay $0x2  }
0x116: {  	v0 =	vadd.f32 v1, v0  }
0x117: {  	s23 =	sadd.s32 $0x1, s23  }
0x118: {  	p0 =	sne.s32 s23, s13  }
.Ltmp3:
0x119: {  	s0 =	simm.s32 $0x1B700;
	[tilespmem:$0x1B700] =	vst v0;
	(pc) =	sbr.rel @p0 .LBB2_1-.Ltmp3, $4  }
0x11a: {  	[hbm4b:s12+s5] =	stream.linear.scatter [tilespmem:s0], [sflag:$0x4], $0x80, $0x38;
	[tilespmem:$0x1B780] =	vst v63  }
0x11b: {  	_ =	swait.ge [sflag:s22], $0x80  }
0x11c: {  	[sflag:s22] =	ssyncset.done $0x0  }
0x11d: {  	[sflag:s22] =	ssyncadd.s32 $0xFFFFFF80  }
0x11e: {  	_ =	sfence.sel $0x180000  }
0x11f: {  	[bflag:$0x0] =	sbarrier.arrive $0xFFFF  }
0x120: {  	_ =	strace $0x90000047  }
0x121: {  	s0 =	stileid.u32;
	[bflag:$0x2] =	sbarrier.arrive $0xFFFF  }
0x122: {  	p0 =	sne.s32 s0, $0x0;
	s0 =	rddreg [dreg:$0x4]  }
0x123: {  	s0 =	sadd.s32 @!p0 $0x100000, s0  }
0x124: {  	[sflag:s0] =	ssyncadd.tile.s32 @!p0 $0x1;
	_ =	shalt  }
.Lfunc_end2:
_tile_overlayer_lowered:
.L_overlay_start_2:
0x125: {  	(tag) =	ssettag $0x2  }
0x126: {  	s0 =	rddreg [dreg:$0x0];
	s2 =	stileid.u32  }
0x127: {  	s1 =	rddreg [dreg:$0x1];
	p0 =	sne.s32 s2, $0x0  }
0x128: {  	s3 =	rddreg [dreg:$0x2];
	[bflag:$0x3] =	sbarrier.arrive $0xFFFF;
	s2 =	simm.s32 @!p0 $0x1C04  }
0x129: {  	[timem:s3], [sflag:s2] =	dma.local @!p0 [hbm:s0], s1  }
0x12a: {  	s0 =	simm.s32 @!p0 $0x4  }
0x12b: {  	_ =	swait.ge @!p0 [sflag:s0], s1  }
0x12c: {  	s1 =	ssub.s32 @!p0 $0x0, s1;
	[sflag:s0] =	ssyncset.done @!p0 $0x0  }
0x12d: {  	[sflag:s0] =	ssyncadd.s32 @!p0 s1  }
0x12e: {  	[bflag:$0x3] =	sbarrier.arrive $0xFFFF  }
0x12f: {  	_ =	shalt  }

</sc_bundles>
